<compile_context>
chip_gen: v7x
topology: tpu7x:2x2x1
jax: 0.10.2.dev20260603
libtpu: 0.0.44.dev20260713+nightly
codegen_flags: <defaults>
</compile_context>

<pallas_src>
import functools

import jax
import jax.numpy as jnp
from jax import lax
from jax.experimental import pallas as pl
from jax.experimental.pallas import tpu as pltpu
from jax.experimental.pallas import tpu_sc as plsc

N_NODES = 10000
EMB = 128
C_DIM = 64
N_EDGES = 320000
AW = EMB + 16

NC = 2
NS = 16
NW = NC * NS
E_PER_TILE = N_EDGES // NW
E_BLK = 40
N_BLKS = E_PER_TILE // E_BLK
N_PAD = 10112
ROWS_PER_SUB = N_PAD // NS


def _z_body(x_ref, w_ref, b_ref, o_ref):
    z = jnp.dot(x_ref[...], w_ref[...], preferred_element_type=jnp.float32)
    z = z + b_ref[...]
    z0 = z[:, :C_DIM]
    z1 = z[:, C_DIM:]
    n0 = jnp.sqrt(jnp.sum(z0 * z0, axis=1, keepdims=True)) + 1e-12
    n1 = jnp.sqrt(jnp.sum(z1 * z1, axis=1, keepdims=True)) + 1e-12
    o_ref[...] = jnp.concatenate([z0 / n0, z1 / n1], axis=1)


def _project(all_emb, W, b):
    R = 2000
    return pl.pallas_call(
        _z_body,
        grid=(N_NODES // R,),
        in_specs=[
            pl.BlockSpec((R, EMB), lambda i: (i, 0)),
            pl.BlockSpec((EMB, EMB), lambda i: (0, 0)),
            pl.BlockSpec((1, EMB), lambda i: (0, 0)),
        ],
        out_specs=pl.BlockSpec((R, EMB), lambda i: (i, 0)),
        out_shape=jax.ShapeDtypeStruct((N_NODES, EMB), jnp.float32),
    )(all_emb, W, b)


def _edge_body(z_hbm, row_hbm, col_hbm, p_hbm, wp_hbm,
               acc, ridx, cidx, zr, zc, msgd, dpair, red, sem):
    c = lax.axis_index("c")
    s = lax.axis_index("s")
    zeros16 = jnp.zeros((16,), jnp.float32)

    def zb(i, carry):
        for k in range(EMB // 16):
            msgd[i, pl.ds(16 * k, 16)] = zeros16
        return carry
    lax.fori_loop(0, E_BLK, zb, 0)

    rbase = s * ROWS_PER_SUB
    _full = ROWS_PER_SUB // E_BLK
    _rem = ROWS_PER_SUB % E_BLK

    def zcp(t, carry):
        pltpu.sync_copy(msgd, acc.at[pl.ds(rbase + t * E_BLK, E_BLK)])
        return carry
    lax.fori_loop(0, _full, zcp, 0)
    if _rem:
        pltpu.sync_copy(msgd.at[pl.ds(0, _rem)], acc.at[pl.ds(rbase + _full * E_BLK, _rem)])
    plsc.subcore_barrier()

    base = (c * NS + s) * E_PER_TILE
    lane = lax.iota(jnp.int32, 16)

    def blk(j, carry):
        off = base + j * E_BLK
        pltpu.sync_copy(row_hbm.at[pl.ds(off, E_BLK)], ridx)
        pltpu.sync_copy(col_hbm.at[pl.ds(off, E_BLK)], cidx)
        pltpu.async_copy(z_hbm.at[ridx], zr, sem).wait()
        pltpu.async_copy(z_hbm.at[cidx], zc, sem).wait()

        def edge(e, ecarry):
            zrv = [zr[e, pl.ds(16 * k, 16)] for k in range(8)]
            zcv = [zc[e, pl.ds(16 * k, 16)] for k in range(8)]
            s0 = zrv[0] * zcv[0] + zrv[1] * zcv[1] + zrv[2] * zcv[2] + zrv[3] * zcv[3]
            s1 = zrv[4] * zcv[4] + zrv[5] * zcv[5] + zrv[6] * zcv[6] + zrv[7] * zcv[7]
            for k in (8, 4, 2, 1):
                red[pl.ds(0, 16)] = s0
                red[pl.ds(32, 16)] = s1
                s0 = s0 + red[pl.ds(k, 16)]
                s1 = s1 + red[pl.ds(32 + k, 16)]
            e0 = s0[0]
            e1 = s1[0]
            l0 = jnp.maximum(e0, 0.2 * e0)
            l1 = jnp.maximum(e1, 0.2 * e1)
            w0 = jnp.exp(jnp.full((16,), l0, jnp.float32))
            w1 = jnp.exp(jnp.full((16,), l1, jnp.float32))
            for k in range(4):
                msgd[e, pl.ds(16 * k, 16)] = w0 * zcv[k]
            for k in range(4, 8):
                msgd[e, pl.ds(16 * k, 16)] = w1 * zcv[k]
            dpair[e, :] = jnp.where(lane == 0, w0,
                                    jnp.where(lane == 1, w1, 0.0))
            return ecarry
        lax.fori_loop(0, E_BLK, edge, 0)

        pltpu.sync_copy(msgd, acc.at[ridx], add=True)
        pltpu.sync_copy(dpair, wp_hbm.at[pl.ds(off, E_BLK)])
        return carry
    lax.fori_loop(0, N_BLKS, blk, 0)
    plsc.subcore_barrier()

    def rcp(t, carry):
        o = rbase + t * E_BLK
        pltpu.sync_copy(acc.at[pl.ds(o, E_BLK)], msgd)
        pltpu.sync_copy(msgd, p_hbm.at[c, pl.ds(o, E_BLK)])
        return carry
    lax.fori_loop(0, _full, rcp, 0)
    if _rem:
        o = rbase + _full * E_BLK
        pltpu.sync_copy(acc.at[pl.ds(o, _rem)], msgd.at[pl.ds(0, _rem)])
        pltpu.sync_copy(msgd.at[pl.ds(0, _rem)], p_hbm.at[c, pl.ds(o, _rem)])


def _dpass_body(row_hbm, wp_hbm, d_hbm, accd, ridx, dpair, sem):
    c = lax.axis_index("c")
    s = lax.axis_index("s")
    zeros16 = jnp.zeros((16,), jnp.float32)

    def zb(i, carry):
        dpair[i, :] = zeros16
        return carry
    lax.fori_loop(0, E_BLK, zb, 0)

    rbase = s * ROWS_PER_SUB
    _full = ROWS_PER_SUB // E_BLK
    _rem = ROWS_PER_SUB % E_BLK

    def zcp(t, carry):
        pltpu.sync_copy(dpair, accd.at[pl.ds(rbase + t * E_BLK, E_BLK)])
        return carry
    lax.fori_loop(0, _full, zcp, 0)
    if _rem:
        pltpu.sync_copy(dpair.at[pl.ds(0, _rem)], accd.at[pl.ds(rbase + _full * E_BLK, _rem)])
    plsc.subcore_barrier()

    base = (c * NS + s) * E_PER_TILE

    def blk(j, carry):
        off = base + j * E_BLK
        pltpu.sync_copy(row_hbm.at[pl.ds(off, E_BLK)], ridx)
        pltpu.sync_copy(wp_hbm.at[pl.ds(off, E_BLK)], dpair)
        pltpu.sync_copy(dpair, accd.at[ridx], add=True)
        return carry
    lax.fori_loop(0, N_BLKS, blk, 0)
    plsc.subcore_barrier()

    def rcp(t, carry):
        o = rbase + t * E_BLK
        pltpu.sync_copy(accd.at[pl.ds(o, E_BLK)], dpair)
        pltpu.sync_copy(dpair, d_hbm.at[c, pl.ds(o, E_BLK)])
        return carry
    lax.fori_loop(0, _full, rcp, 0)
    if _rem:
        o = rbase + _full * E_BLK
        pltpu.sync_copy(accd.at[pl.ds(o, _rem)], dpair.at[pl.ds(0, _rem)])
        pltpu.sync_copy(dpair.at[pl.ds(0, _rem)], d_hbm.at[c, pl.ds(o, _rem)])


@functools.partial(jax.jit)
def _edge_pass(Z, row, col):
    mesh = plsc.VectorSubcoreMesh(core_axis_name="c", subcore_axis_name="s",
                                  num_cores=NC, num_subcores=NS)
    f = pl.kernel(
        _edge_body,
        out_type=[
            jax.ShapeDtypeStruct((NC, N_PAD, EMB), jnp.float32),
            jax.ShapeDtypeStruct((N_EDGES, 16), jnp.float32),
        ],
        mesh=mesh,
        scratch_types=[
            pltpu.VMEM_SHARED((N_PAD, EMB), jnp.float32),
            pltpu.VMEM((E_BLK,), jnp.int32),
            pltpu.VMEM((E_BLK,), jnp.int32),
            pltpu.VMEM((E_BLK, EMB), jnp.float32),
            pltpu.VMEM((E_BLK, EMB), jnp.float32),
            pltpu.VMEM((E_BLK, EMB), jnp.float32),
            pltpu.VMEM((E_BLK, 16), jnp.float32),
            pltpu.VMEM((64,), jnp.float32),
            pltpu.SemaphoreType.DMA,
        ],
    )
    P, WP = f(Z, row, col)
    g = pl.kernel(
        _dpass_body,
        out_type=[
            jax.ShapeDtypeStruct((NC, N_PAD, 16), jnp.float32),
        ],
        mesh=mesh,
        scratch_types=[
            pltpu.VMEM_SHARED((N_PAD, 16), jnp.float32),
            pltpu.VMEM((E_BLK,), jnp.int32),
            pltpu.VMEM((E_BLK, 16), jnp.float32),
            pltpu.SemaphoreType.DMA,
        ],
    )
    (D,) = g(row, WP)
    return P, D


def _comb_body(e_ref, n_ref, d_ref, o_ref):
    R = e_ref.shape[0]
    n = n_ref[0] + n_ref[1]
    d = d_ref[0] + d_ref[1]
    d0 = jnp.broadcast_to(d[:, 0:1], (R, C_DIM))
    d1 = jnp.broadcast_to(d[:, 1:2], (R, C_DIM))
    denom = jnp.concatenate([d0, d1], axis=1) + 1e-12
    o_ref[...] = 0.5 * (e_ref[...] + n / denom)


def _combine(all_emb, P, D):
    R = 2000
    return pl.pallas_call(
        _comb_body,
        grid=(N_NODES // R,),
        in_specs=[
            pl.BlockSpec((R, EMB), lambda i: (i, 0)),
            pl.BlockSpec((NC, R, EMB), lambda i: (0, i, 0)),
            pl.BlockSpec((NC, R, 16), lambda i: (0, i, 0)),
        ],
        out_specs=pl.BlockSpec((R, EMB), lambda i: (i, 0)),
        out_shape=jax.ShapeDtypeStruct((N_NODES, EMB), jnp.float32),
    )(all_emb, P, D)


def kernel(user_emb, item_emb, edge_index, W0, b0, W1, b1):
    all_emb = jnp.concatenate([user_emb, item_emb], axis=0)
    W = jnp.concatenate([W0, W1], axis=1)
    b = jnp.concatenate([b0, b1], axis=1)
    Z = _project(all_emb, W, b)
    row = edge_index[0].astype(jnp.int32)
    col = edge_index[1].astype(jnp.int32)
    P, D = _edge_pass(Z, row, col)
    return _combine(all_emb, P, D)

# --- scband reference (transcript-rebuilt; emitter-appended) ---
"""Pipeline reference for scband-hyper-graph-custom-bipartite-disen-gatvaetemp-83081847374427 (READ-ONLY COPY).

The authoritative reference and input builder live on the scoring server;
editing this copy changes nothing except your own understanding.
"""

import jax, jax.numpy as jnp
import numpy as np

N_USER = 5000
N_ITEM = 5000
N_NODES = N_USER + N_ITEM
N_EDGES = 320000
EMB = 128
CHANNELS = 2
C_DIM = EMB // CHANNELS


def setup_inputs(seed: int = 0) -> dict:
    key = jax.random.key(seed)
    k1, k2, k3, k4, k5, k6, k7, k8 = jax.random.split(key, 8)
    user_emb = jax.random.normal(k1, (N_USER, EMB), dtype=jnp.float32)
    item_emb = jax.random.normal(k2, (N_ITEM, EMB), dtype=jnp.float32)
    edge_index = jax.random.randint(k3, (2, N_EDGES), 0, N_NODES, dtype=jnp.int64)
    std = 1e-4
    W0 = std * jax.random.normal(k4, (EMB, C_DIM), dtype=jnp.float32)
    b0 = std * jax.random.normal(k5, (1, C_DIM), dtype=jnp.float32)
    W1 = std * jax.random.normal(k6, (EMB, C_DIM), dtype=jnp.float32)
    b1 = std * jax.random.normal(k7, (1, C_DIM), dtype=jnp.float32)
    return {"user_emb": user_emb, "item_emb": item_emb, "edge_index": edge_index,
            "W0": W0, "b0": b0, "W1": W1, "b1": b1}


def _disen_layer(all_emb, row, col, n, weights, biases):
    # one disentangled GAT propagation layer over the bipartite adjacency
    channel_outs = []
    for W, b in zip(weights, biases):
        z = jnp.matmul(all_emb, W) + b
        z = z / (jnp.linalg.norm(z, axis=1, keepdims=True) + 1e-12)  # F.normalize(dim=1)
        # per-edge attention logits from channel-disentangled embeddings
        e = jnp.sum(z[row] * z[col], axis=1)
        e = jax.nn.leaky_relu(e, 0.2)
        # segment softmax over destination (row) nodes
        m = jax.ops.segment_max(e, row, num_segments=n)
        ex = jnp.exp(e - m[row])
        denom = jax.ops.segment_sum(ex, row, num_segments=n)
        att = ex / (denom[row] + 1e-12)
        msg = z[col] * att[:, None]
        out = jax.ops.segment_sum(msg, row, num_segments=n)
        channel_outs.append(out)
    return jnp.concatenate(channel_outs, axis=1)


def reference(user_emb, item_emb, edge_index, W0, b0, W1, b1):
    all_emb = jnp.concatenate([user_emb, item_emb], axis=0)
    n = all_emb.shape[0]
    row = edge_index[0]
    col = edge_index[1]
    finals = [all_emb]
    cur = all_emb
    n_layers = 1  # graph_layer=1
    for _ in range(n_layers):
        cur = _disen_layer(cur, row, col, n, [W0, W1], [b0, b1])
        finals.append(cur)
    final = jnp.mean(jnp.stack(finals, axis=0), axis=0)
    return final

if __name__ == "__main__":
    import jax
    _d = setup_inputs()
    print(jax.jit(kernel)(*tuple(_d.values())))

</pallas_src>

<mosaic_0001>
#map = affine_map<(d0, d1) -> (0)>
#map1 = affine_map<(d0, d1) -> (0, 0)>
#map2 = affine_map<(d0, d1) -> (0, 0, 0)>
module attributes {stable_mosaic.version = 14 : i64} {
  func.func @_dpass_body(%arg0: i32, %arg1: i32, %arg2: memref<320000xi32, #tpu.memory_space<hbm>>, %arg3: memref<320000x16xf32, #tpu.memory_space<hbm>>, %arg4: memref<2x10112x16xf32, #tpu.memory_space<hbm>>, %arg5: memref<10112x16xf32, #tpu.memory_space<vmem_shared>>, %arg6: memref<40xi32, #tpu.memory_space<vmem>>, %arg7: memref<40x16xf32, #tpu.memory_space<vmem>>, %arg8: memref<!tpu.dma_semaphore, #tpu.memory_space<semaphore_mem>>) attributes {dimension_semantics = [#tpu.dimension_semantics<core_parallel>, #tpu.dimension_semantics<subcore_parallel>], iteration_bounds = array<i64: 2, 16>, scalar_prefetch = 0 : i64, scratch_operands = 4 : i64, tpu.core_type = #tpu.core_type<sc_vector_subcore>, window_params = [{transform_indices = #map}, {transform_indices = #map1}, {transform_indices = #map2}]} {
    %broadcast_in_dim3A = arith.constant 0.000000e+00 : f32
    %broadcast_in_dim3A_0 = vector.broadcast %broadcast_in_dim3A : f32 to vector<16xf32>
    %scan3A = arith.constant 0 : i32
    %scan3A_1 = arith.constant 0 : i32
    %scan3A_2 = arith.constant 40 : i32
    %scan3A_3 = arith.addi %scan3A_1, %scan3A_2 : i32
    %scan3A_4 = arith.constant 1 : i32
    scf.for %scan3A_34 = %scan3A_1 to %scan3A_3 step %scan3A_4  : i32 {
      %swap3A = arith.index_cast %scan3A_34 : i32 to index
      %swap3A_35 = arith.constant 0 : index
      %swap3A_36 = tpu.vector_load %arg7[%swap3A, %swap3A_35] {strides = array<i32>} : memref<40x16xf32, #tpu.memory_space<vmem>>, vector<1x16xf32>,
      %swap3A_37 = vector.shape_cast %swap3A_36 : vector<1x16xf32> to vector<16xf32>
      %swap3A_38 = vector.shape_cast %broadcast_in_dim3A_0 : vector<16xf32> to vector<1x16xf32>
      tpu.vector_store %arg7[%swap3A, %swap3A_35], %swap3A_38 {strides = array<i32>} : memref<40x16xf32, #tpu.memory_space<vmem>>, vector<1x16xf32>,
    }
    %scan3A_5 = arith.constant 40 : i32
    %mul3A = arith.constant 632 : i32
    %mul3A_6 = arith.muli %arg1, %mul3A : i32
    %scan3A_7 = arith.constant 0 : i32
    %scan3A_8 = arith.constant 0 : i32
    %scan3A_9 = arith.constant 15 : i32
    %scan3A_10 = arith.addi %scan3A_8, %scan3A_9 : i32
    %scan3A_11 = arith.constant 1 : i32
    scf.for %scan3A_34 = %scan3A_8 to %scan3A_10 step %scan3A_11  : i32 {
      %mul3A_35 = arith.constant 40 : i32
      %mul3A_36 = arith.muli %scan3A_34, %mul3A_35 : i32
      %add3A_37 = arith.addi %mul3A_6, %mul3A_36 : i32
      "tpu.region"() ({
        %run_scoped3A = tpu.sem_alloc : memref<!tpu.dma_semaphore, #tpu.memory_space<semaphore_mem>>
        %dma_start3A = arith.constant 0 : i32
        %dma_start3A_38 = tpu.memref_slice %arg5[%add3A_37, %dma_start3A] : memref<10112x16xf32, #tpu.memory_space<vmem_shared>> -> memref<40x16xf32, #tpu.memory_space<vmem_shared>>
        %dma_start3A_39 = arith.constant 0 : i32
        %dma_start3A_40 = tpu.memref_slice %arg5[%add3A_37, %dma_start3A_39] : memref<10112x16xf32, #tpu.memory_space<vmem_shared>> -> memref<40x16xf32, #tpu.memory_space<vmem_shared>>
        tpu.enqueue_dma source(%arg7 : memref<40x16xf32, #tpu.memory_space<vmem>>) target(%dma_start3A_40 : memref<40x16xf32, #tpu.memory_space<vmem_shared>>) target_semaphore(%run_scoped3A : memref<!tpu.dma_semaphore, #tpu.memory_space<semaphore_mem>>)
        %dma_wait3A = arith.constant 0 : i32
        %dma_wait3A_41 = tpu.memref_slice %arg5[%add3A_37, %dma_wait3A] : memref<10112x16xf32, #tpu.memory_space<vmem_shared>> -> memref<40x16xf32, #tpu.memory_space<vmem_shared>>
        %dma_wait3A_42 = arith.constant 0 : i32
        %dma_wait3A_43 = tpu.memref_slice %arg5[%add3A_37, %dma_wait3A_42] : memref<10112x16xf32, #tpu.memory_space<vmem_shared>> -> memref<40x16xf32, #tpu.memory_space<vmem_shared>>
        tpu.wait_dma2 semaphore(%run_scoped3A : memref<!tpu.dma_semaphore, #tpu.memory_space<semaphore_mem>>) src(%arg7 : memref<40x16xf32, #tpu.memory_space<vmem>>) dst(%dma_wait3A_43 : memref<40x16xf32, #tpu.memory_space<vmem_shared>>)
        tpu.yield
      }) : () -> ()
    }
    %scan3A_12 = arith.constant 15 : i32
    %add3A = arith.constant 600 : i32
    %add3A_13 = arith.addi %mul3A_6, %add3A : i32
    "tpu.region"() ({
      %run_scoped3A = tpu.sem_alloc : memref<!tpu.dma_semaphore, #tpu.memory_space<semaphore_mem>>
      %dma_start3A = arith.constant 0 : i32
      %dma_start3A_34 = arith.constant 0 : i32
      %dma_start3A_35 = tpu.memref_slice %arg7[%dma_start3A, %dma_start3A_34] : memref<40x16xf32, #tpu.memory_space<vmem>> -> memref<32x16xf32, #tpu.memory_space<vmem>>
      %dma_start3A_36 = arith.constant 0 : i32
      %dma_start3A_37 = tpu.memref_slice %arg5[%add3A_13, %dma_start3A_36] : memref<10112x16xf32, #tpu.memory_space<vmem_shared>> -> memref<32x16xf32, #tpu.memory_space<vmem_shared>>
      %dma_start3A_38 = arith.constant 0 : i32
      %dma_start3A_39 = tpu.memref_slice %arg5[%add3A_13, %dma_start3A_38] : memref<10112x16xf32, #tpu.memory_space<vmem_shared>> -> memref<32x16xf32, #tpu.memory_space<vmem_shared>>
      %dma_start3A_40 = arith.constant 0 : i32
      %dma_start3A_41 = arith.constant 0 : i32
      %dma_start3A_42 = tpu.memref_slice %arg7[%dma_start3A_40, %dma_start3A_41] : memref<40x16xf32, #tpu.memory_space<vmem>> -> memref<32x16xf32, #tpu.memory_space<vmem>>
      tpu.enqueue_dma source(%dma_start3A_42 : memref<32x16xf32, #tpu.memory_space<vmem>>) target(%dma_start3A_39 : memref<32x16xf32, #tpu.memory_space<vmem_shared>>) target_semaphore(%run_scoped3A : memref<!tpu.dma_semaphore, #tpu.memory_space<semaphore_mem>>)
      %dma_wait3A = arith.constant 0 : i32
      %dma_wait3A_43 = arith.constant 0 : i32
      %dma_wait3A_44 = tpu.memref_slice %arg7[%dma_wait3A, %dma_wait3A_43] : memref<40x16xf32, #tpu.memory_space<vmem>> -> memref<32x16xf32, #tpu.memory_space<vmem>>
      %dma_wait3A_45 = arith.constant 0 : i32
      %dma_wait3A_46 = tpu.memref_slice %arg5[%add3A_13, %dma_wait3A_45] : memref<10112x16xf32, #tpu.memory_space<vmem_shared>> -> memref<32x16xf32, #tpu.memory_space<vmem_shared>>
      %dma_wait3A_47 = arith.constant 0 : i32
      %dma_wait3A_48 = tpu.memref_slice %arg5[%add3A_13, %dma_wait3A_47] : memref<10112x16xf32, #tpu.memory_space<vmem_shared>> -> memref<32x16xf32, #tpu.memory_space<vmem_shared>>
      %dma_wait3A_49 = arith.constant 0 : i32
      %dma_wait3A_50 = arith.constant 0 : i32
      %dma_wait3A_51 = tpu.memref_slice %arg7[%dma_wait3A_49, %dma_wait3A_50] : memref<40x16xf32, #tpu.memory_space<vmem>> -> memref<32x16xf32, #tpu.memory_space<vmem>>
      tpu.wait_dma2 semaphore(%run_scoped3A : memref<!tpu.dma_semaphore, #tpu.memory_space<semaphore_mem>>) src(%dma_wait3A_51 : memref<32x16xf32, #tpu.memory_space<vmem>>) dst(%dma_wait3A_48 : memref<32x16xf32, #tpu.memory_space<vmem_shared>>)
      tpu.yield
    }) : () -> ()
    %barrier3A = arith.constant 0 : index
    tpu.barrier barrier_id(%barrier3A)
    %mul3A_14 = arith.constant 16 : i32
    %mul3A_15 = arith.muli %arg0, %mul3A_14 : i32
    %add3A_16 = arith.addi %mul3A_15, %arg1 : i32
    %mul3A_17 = arith.constant 10000 : i32
    %mul3A_18 = arith.muli %add3A_16, %mul3A_17 : i32
    %scan3A_19 = arith.constant 0 : i32
    %scan3A_20 = arith.constant 0 : i32
    %scan3A_21 = arith.constant 250 : i32
    %scan3A_22 = arith.addi %scan3A_20, %scan3A_21 : i32
    %scan3A_23 = arith.constant 1 : i32
    scf.for %scan3A_34 = %scan3A_20 to %scan3A_22 step %scan3A_23  : i32 {
      %mul3A_35 = arith.constant 40 : i32
      %mul3A_36 = arith.muli %scan3A_34, %mul3A_35 : i32
      %add3A_37 = arith.addi %mul3A_18, %mul3A_36 : i32
      "tpu.region"() ({
        %run_scoped3A = tpu.sem_alloc : memref<!tpu.dma_semaphore, #tpu.memory_space<semaphore_mem>>
        %dma_start3A = tpu.memref_slice %arg2[%add3A_37] : memref<320000xi32, #tpu.memory_space<hbm>> -> memref<40xi32, #tpu.memory_space<hbm>>
        %dma_start3A_38 = tpu.memref_slice %arg2[%add3A_37] : memref<320000xi32, #tpu.memory_space<hbm>> -> memref<40xi32, #tpu.memory_space<hbm>>
        tpu.enqueue_dma source(%dma_start3A_38 : memref<40xi32, #tpu.memory_space<hbm>>) target(%arg6 : memref<40xi32, #tpu.memory_space<vmem>>) target_semaphore(%run_scoped3A : memref<!tpu.dma_semaphore, #tpu.memory_space<semaphore_mem>>)
        %dma_wait3A = tpu.memref_slice %arg2[%add3A_37] : memref<320000xi32, #tpu.memory_space<hbm>> -> memref<40xi32, #tpu.memory_space<hbm>>
        %dma_wait3A_39 = tpu.memref_slice %arg2[%add3A_37] : memref<320000xi32, #tpu.memory_space<hbm>> -> memref<40xi32, #tpu.memory_space<hbm>>
        tpu.wait_dma2 semaphore(%run_scoped3A : memref<!tpu.dma_semaphore, #tpu.memory_space<semaphore_mem>>) src(%dma_wait3A_39 : memref<40xi32, #tpu.memory_space<hbm>>) dst(%arg6 : memref<40xi32, #tpu.memory_space<vmem>>)
        tpu.yield
      }) : () -> ()
      "tpu.region"() ({
        %run_scoped3A = tpu.sem_alloc : memref<!tpu.dma_semaphore, #tpu.memory_space<semaphore_mem>>
        %dma_start3A = arith.constant 0 : i32
        %dma_start3A_38 = tpu.memref_slice %arg3[%add3A_37, %dma_start3A] : memref<320000x16xf32, #tpu.memory_space<hbm>> -> memref<40x16xf32, #tpu.memory_space<hbm>>
        %dma_start3A_39 = arith.constant 0 : i32
        %dma_start3A_40 = tpu.memref_slice %arg3[%add3A_37, %dma_start3A_39] : memref<320000x16xf32, #tpu.memory_space<hbm>> -> memref<40x16xf32, #tpu.memory_space<hbm>>
        tpu.enqueue_dma source(%dma_start3A_40 : memref<40x16xf32, #tpu.memory_space<hbm>>) target(%arg7 : memref<40x16xf32, #tpu.memory_space<vmem>>) target_semaphore(%run_scoped3A : memref<!tpu.dma_semaphore, #tpu.memory_space<semaphore_mem>>)
        %dma_wait3A = arith.constant 0 : i32
        %dma_wait3A_41 = tpu.memref_slice %arg3[%add3A_37, %dma_wait3A] : memref<320000x16xf32, #tpu.memory_space<hbm>> -> memref<40x16xf32, #tpu.memory_space<hbm>>
        %dma_wait3A_42 = arith.constant 0 : i32
        %dma_wait3A_43 = tpu.memref_slice %arg3[%add3A_37, %dma_wait3A_42] : memref<320000x16xf32, #tpu.memory_space<hbm>> -> memref<40x16xf32, #tpu.memory_space<hbm>>
        tpu.wait_dma2 semaphore(%run_scoped3A : memref<!tpu.dma_semaphore, #tpu.memory_space<semaphore_mem>>) src(%dma_wait3A_43 : memref<40x16xf32, #tpu.memory_space<hbm>>) dst(%arg7 : memref<40x16xf32, #tpu.memory_space<vmem>>)
        tpu.yield
      }) : () -> ()
      "tpu.region"() ({
        %run_scoped3A = tpu.sem_alloc : memref<!tpu.dma_semaphore, #tpu.memory_space<semaphore_mem>>
        %dma_start3A = arith.constant 0 : i32
        %dma_start3A_38 = arith.constant 0 : i32
        %dma_start3A_39 = tpu.memref_slice %arg5[%dma_start3A, %dma_start3A_38] : memref<10112x16xf32, #tpu.memory_space<vmem_shared>> -> memref<10112x16xf32, #tpu.memory_space<vmem_shared>>
        tpu.enqueue_indirect_dma source(%arg7 : memref<40x16xf32, #tpu.memory_space<vmem>>) target(%dma_start3A_39 : memref<10112x16xf32, #tpu.memory_space<vmem_shared>>) offsets(%arg6 : memref<40xi32, #tpu.memory_space<vmem>>) semaphore(%run_scoped3A : memref<!tpu.dma_semaphore, #tpu.memory_space<semaphore_mem>>) {add = true}
        %dma_wait3A = arith.constant 0 : i32
        %dma_wait3A_40 = arith.constant 0 : i32
        %dma_wait3A_41 = tpu.memref_slice %arg5[%dma_wait3A, %dma_wait3A_40] : memref<10112x16xf32, #tpu.memory_space<vmem_shared>> -> memref<10112x16xf32, #tpu.memory_space<vmem_shared>>
        tpu.wait_indirect_dma semaphore(%run_scoped3A : memref<!tpu.dma_semaphore, #tpu.memory_space<semaphore_mem>>) src(%arg7 : memref<40x16xf32, #tpu.memory_space<vmem>>) dst(%dma_wait3A_41 : memref<10112x16xf32, #tpu.memory_space<vmem_shared>>)
        tpu.yield
      }) : () -> ()
    }
    %scan3A_24 = arith.constant 250 : i32
    %barrier3A_25 = arith.constant 0 : index
    tpu.barrier barrier_id(%barrier3A_25)
    %scan3A_26 = arith.constant 0 : i32
    %scan3A_27 = arith.constant 0 : i32
    %scan3A_28 = arith.constant 15 : i32
    %scan3A_29 = arith.addi %scan3A_27, %scan3A_28 : i32
    %scan3A_30 = arith.constant 1 : i32
    scf.for %scan3A_34 = %scan3A_27 to %scan3A_29 step %scan3A_30  : i32 {
      %mul3A_35 = arith.constant 40 : i32
      %mul3A_36 = arith.muli %scan3A_34, %mul3A_35 : i32
      %add3A_37 = arith.addi %mul3A_6, %mul3A_36 : i32
      "tpu.region"() ({
        %run_scoped3A = tpu.sem_alloc : memref<!tpu.dma_semaphore, #tpu.memory_space<semaphore_mem>>
        %dma_start3A = arith.constant 0 : i32
        %dma_start3A_38 = tpu.memref_slice %arg5[%add3A_37, %dma_start3A] : memref<10112x16xf32, #tpu.memory_space<vmem_shared>> -> memref<40x16xf32, #tpu.memory_space<vmem_shared>>
        %dma_start3A_39 = arith.constant 0 : i32
        %dma_start3A_40 = tpu.memref_slice %arg5[%add3A_37, %dma_start3A_39] : memref<10112x16xf32, #tpu.memory_space<vmem_shared>> -> memref<40x16xf32, #tpu.memory_space<vmem_shared>>
        tpu.enqueue_dma source(%dma_start3A_40 : memref<40x16xf32, #tpu.memory_space<vmem_shared>>) target(%arg7 : memref<40x16xf32, #tpu.memory_space<vmem>>) target_semaphore(%run_scoped3A : memref<!tpu.dma_semaphore, #tpu.memory_space<semaphore_mem>>)
        %dma_wait3A = arith.constant 0 : i32
        %dma_wait3A_41 = tpu.memref_slice %arg5[%add3A_37, %dma_wait3A] : memref<10112x16xf32, #tpu.memory_space<vmem_shared>> -> memref<40x16xf32, #tpu.memory_space<vmem_shared>>
        %dma_wait3A_42 = arith.constant 0 : i32
        %dma_wait3A_43 = tpu.memref_slice %arg5[%add3A_37, %dma_wait3A_42] : memref<10112x16xf32, #tpu.memory_space<vmem_shared>> -> memref<40x16xf32, #tpu.memory_space<vmem_shared>>
        tpu.wait_dma2 semaphore(%run_scoped3A : memref<!tpu.dma_semaphore, #tpu.memory_space<semaphore_mem>>) src(%dma_wait3A_43 : memref<40x16xf32, #tpu.memory_space<vmem_shared>>) dst(%arg7 : memref<40x16xf32, #tpu.memory_space<vmem>>)
        tpu.yield
      }) : () -> ()
      "tpu.region"() ({
        %run_scoped3A = tpu.sem_alloc : memref<!tpu.dma_semaphore, #tpu.memory_space<semaphore_mem>>
        %dma_start3A = arith.constant 0 : i32
        %dma_start3A_38 = tpu.memref_slice %arg4[%arg0, %add3A_37, %dma_start3A] : memref<2x10112x16xf32, #tpu.memory_space<hbm>> -> memref<1x40x16xf32, #tpu.memory_space<hbm>>
        %dma_start3A_39 = tpu.memref_squeeze %dma_start3A_38 : memref<1x40x16xf32, #tpu.memory_space<hbm>> -> memref<40x16xf32, #tpu.memory_space<hbm>>
        %dma_start3A_40 = arith.constant 0 : i32
        %dma_start3A_41 = tpu.memref_slice %arg4[%arg0, %add3A_37, %dma_start3A_40] : memref<2x10112x16xf32, #tpu.memory_space<hbm>> -> memref<1x40x16xf32, #tpu.memory_space<hbm>>
        %dma_start3A_42 = tpu.memref_squeeze %dma_start3A_41 : memref<1x40x16xf32, #tpu.memory_space<hbm>> -> memref<40x16xf32, #tpu.memory_space<hbm>>
        tpu.enqueue_dma source(%arg7 : memref<40x16xf32, #tpu.memory_space<vmem>>) target(%dma_start3A_42 : memref<40x16xf32, #tpu.memory_space<hbm>>) target_semaphore(%run_scoped3A : memref<!tpu.dma_semaphore, #tpu.memory_space<semaphore_mem>>)
        %dma_wait3A = arith.constant 0 : i32
        %dma_wait3A_43 = tpu.memref_slice %arg4[%arg0, %add3A_37, %dma_wait3A] : memref<2x10112x16xf32, #tpu.memory_space<hbm>> -> memref<1x40x16xf32, #tpu.memory_space<hbm>>
        %dma_wait3A_44 = tpu.memref_squeeze %dma_wait3A_43 : memref<1x40x16xf32, #tpu.memory_space<hbm>> -> memref<40x16xf32, #tpu.memory_space<hbm>>
        %dma_wait3A_45 = arith.constant 0 : i32
        %dma_wait3A_46 = tpu.memref_slice %arg4[%arg0, %add3A_37, %dma_wait3A_45] : memref<2x10112x16xf32, #tpu.memory_space<hbm>> -> memref<1x40x16xf32, #tpu.memory_space<hbm>>
        %dma_wait3A_47 = tpu.memref_squeeze %dma_wait3A_46 : memref<1x40x16xf32, #tpu.memory_space<hbm>> -> memref<40x16xf32, #tpu.memory_space<hbm>>
        tpu.wait_dma2 semaphore(%run_scoped3A : memref<!tpu.dma_semaphore, #tpu.memory_space<semaphore_mem>>) src(%arg7 : memref<40x16xf32, #tpu.memory_space<vmem>>) dst(%dma_wait3A_47 : memref<40x16xf32, #tpu.memory_space<hbm>>)
        tpu.yield
      }) : () -> ()
    }
    %scan3A_31 = arith.constant 15 : i32
    %add3A_32 = arith.constant 600 : i32
    %add3A_33 = arith.addi %mul3A_6, %add3A_32 : i32
    "tpu.region"() ({
      %run_scoped3A = tpu.sem_alloc : memref<!tpu.dma_semaphore, #tpu.memory_space<semaphore_mem>>
      %dma_start3A = arith.constant 0 : i32
      %dma_start3A_34 = arith.constant 0 : i32
      %dma_start3A_35 = tpu.memref_slice %arg7[%dma_start3A, %dma_start3A_34] : memref<40x16xf32, #tpu.memory_space<vmem>> -> memref<32x16xf32, #tpu.memory_space<vmem>>
      %dma_start3A_36 = arith.constant 0 : i32
      %dma_start3A_37 = tpu.memref_slice %arg5[%add3A_33, %dma_start3A_36] : memref<10112x16xf32, #tpu.memory_space<vmem_shared>> -> memref<32x16xf32, #tpu.memory_space<vmem_shared>>
      %dma_start3A_38 = arith.constant 0 : i32
      %dma_start3A_39 = arith.constant 0 : i32
      %dma_start3A_40 = tpu.memref_slice %arg7[%dma_start3A_38, %dma_start3A_39] : memref<40x16xf32, #tpu.memory_space<vmem>> -> memref<32x16xf32, #tpu.memory_space<vmem>>
      %dma_start3A_41 = arith.constant 0 : i32
      %dma_start3A_42 = tpu.memref_slice %arg5[%add3A_33, %dma_start3A_41] : memref<10112x16xf32, #tpu.memory_space<vmem_shared>> -> memref<32x16xf32, #tpu.memory_space<vmem_shared>>
      tpu.enqueue_dma source(%dma_start3A_42 : memref<32x16xf32, #tpu.memory_space<vmem_shared>>) target(%dma_start3A_40 : memref<32x16xf32, #tpu.memory_space<vmem>>) target_semaphore(%run_scoped3A : memref<!tpu.dma_semaphore, #tpu.memory_space<semaphore_mem>>)
      %dma_wait3A = arith.constant 0 : i32
      %dma_wait3A_43 = arith.constant 0 : i32
      %dma_wait3A_44 = tpu.memref_slice %arg7[%dma_wait3A, %dma_wait3A_43] : memref<40x16xf32, #tpu.memory_space<vmem>> -> memref<32x16xf32, #tpu.memory_space<vmem>>
      %dma_wait3A_45 = arith.constant 0 : i32
      %dma_wait3A_46 = tpu.memref_slice %arg5[%add3A_33, %dma_wait3A_45] : memref<10112x16xf32, #tpu.memory_space<vmem_shared>> -> memref<32x16xf32, #tpu.memory_space<vmem_shared>>
      %dma_wait3A_47 = arith.constant 0 : i32
      %dma_wait3A_48 = arith.constant 0 : i32
      %dma_wait3A_49 = tpu.memref_slice %arg7[%dma_wait3A_47, %dma_wait3A_48] : memref<40x16xf32, #tpu.memory_space<vmem>> -> memref<32x16xf32, #tpu.memory_space<vmem>>
      %dma_wait3A_50 = arith.constant 0 : i32
      %dma_wait3A_51 = tpu.memref_slice %arg5[%add3A_33, %dma_wait3A_50] : memref<10112x16xf32, #tpu.memory_space<vmem_shared>> -> memref<32x16xf32, #tpu.memory_space<vmem_shared>>
      tpu.wait_dma2 semaphore(%run_scoped3A : memref<!tpu.dma_semaphore, #tpu.memory_space<semaphore_mem>>) src(%dma_wait3A_51 : memref<32x16xf32, #tpu.memory_space<vmem_shared>>) dst(%dma_wait3A_49 : memref<32x16xf32, #tpu.memory_space<vmem>>)
      tpu.yield
    }) : () -> ()
    "tpu.region"() ({
      %run_scoped3A = tpu.sem_alloc : memref<!tpu.dma_semaphore, #tpu.memory_space<semaphore_mem>>
      %dma_start3A = arith.constant 0 : i32
      %dma_start3A_34 = arith.constant 0 : i32
      %dma_start3A_35 = tpu.memref_slice %arg7[%dma_start3A, %dma_start3A_34] : memref<40x16xf32, #tpu.memory_space<vmem>> -> memref<32x16xf32, #tpu.memory_space<vmem>>
      %dma_start3A_36 = arith.constant 0 : i32
      %dma_start3A_37 = tpu.memref_slice %arg4[%arg0, %add3A_33, %dma_start3A_36] : memref<2x10112x16xf32, #tpu.memory_space<hbm>> -> memref<1x32x16xf32, #tpu.memory_space<hbm>>
      %dma_start3A_38 = tpu.memref_squeeze %dma_start3A_37 : memref<1x32x16xf32, #tpu.memory_space<hbm>> -> memref<32x16xf32, #tpu.memory_space<hbm>>
      %dma_start3A_39 = arith.constant 0 : i32
      %dma_start3A_40 = tpu.memref_slice %arg4[%arg0, %add3A_33, %dma_start3A_39] : memref<2x10112x16xf32, #tpu.memory_space<hbm>> -> memref<1x32x16xf32, #tpu.memory_space<hbm>>
      %dma_start3A_41 = tpu.memref_squeeze %dma_start3A_40 : memref<1x32x16xf32, #tpu.memory_space<hbm>> -> memref<32x16xf32, #tpu.memory_space<hbm>>
      %dma_start3A_42 = arith.constant 0 : i32
      %dma_start3A_43 = arith.constant 0 : i32
      %dma_start3A_44 = tpu.memref_slice %arg7[%dma_start3A_42, %dma_start3A_43] : memref<40x16xf32, #tpu.memory_space<vmem>> -> memref<32x16xf32, #tpu.memory_space<vmem>>
      tpu.enqueue_dma source(%dma_start3A_44 : memref<32x16xf32, #tpu.memory_space<vmem>>) target(%dma_start3A_41 : memref<32x16xf32, #tpu.memory_space<hbm>>) target_semaphore(%run_scoped3A : memref<!tpu.dma_semaphore, #tpu.memory_space<semaphore_mem>>)
      %dma_wait3A = arith.constant 0 : i32
      %dma_wait3A_45 = arith.constant 0 : i32
      %dma_wait3A_46 = tpu.memref_slice %arg7[%dma_wait3A, %dma_wait3A_45] : memref<40x16xf32, #tpu.memory_space<vmem>> -> memref<32x16xf32, #tpu.memory_space<vmem>>
      %dma_wait3A_47 = arith.constant 0 : i32
      %dma_wait3A_48 = tpu.memref_slice %arg4[%arg0, %add3A_33, %dma_wait3A_47] : memref<2x10112x16xf32, #tpu.memory_space<hbm>> -> memref<1x32x16xf32, #tpu.memory_space<hbm>>
      %dma_wait3A_49 = tpu.memref_squeeze %dma_wait3A_48 : memref<1x32x16xf32, #tpu.memory_space<hbm>> -> memref<32x16xf32, #tpu.memory_space<hbm>>
      %dma_wait3A_50 = arith.constant 0 : i32
      %dma_wait3A_51 = tpu.memref_slice %arg4[%arg0, %add3A_33, %dma_wait3A_50] : memref<2x10112x16xf32, #tpu.memory_space<hbm>> -> memref<1x32x16xf32, #tpu.memory_space<hbm>>
      %dma_wait3A_52 = tpu.memref_squeeze %dma_wait3A_51 : memref<1x32x16xf32, #tpu.memory_space<hbm>> -> memref<32x16xf32, #tpu.memory_space<hbm>>
      %dma_wait3A_53 = arith.constant 0 : i32
      %dma_wait3A_54 = arith.constant 0 : i32
      %dma_wait3A_55 = tpu.memref_slice %arg7[%dma_wait3A_53, %dma_wait3A_54] : memref<40x16xf32, #tpu.memory_space<vmem>> -> memref<32x16xf32, #tpu.memory_space<vmem>>
      tpu.wait_dma2 semaphore(%run_scoped3A : memref<!tpu.dma_semaphore, #tpu.memory_space<semaphore_mem>>) src(%dma_wait3A_55 : memref<32x16xf32, #tpu.memory_space<vmem>>) dst(%dma_wait3A_52 : memref<32x16xf32, #tpu.memory_space<hbm>>)
      tpu.yield
    }) : () -> ()
    return
  }
}

#map = affine_map<(d0, d1) -> (0, 0)>
#map1 = affine_map<(d0, d1) -> (0)>
#map2 = affine_map<(d0, d1) -> (0, 0, 0)>
module attributes {stable_mosaic.version = 14 : i64} {
  func.func @_edge_body(%arg0: i32, %arg1: i32, %arg2: memref<10000x128xf32, #tpu.memory_space<hbm>>, %arg3: memref<320000xi32, #tpu.memory_space<hbm>>, %arg4: memref<320000xi32, #tpu.memory_space<hbm>>, %arg5: memref<2x10112x128xf32, #tpu.memory_space<hbm>>, %arg6: memref<320000x16xf32, #tpu.memory_space<hbm>>, %arg7: memref<10112x128xf32, #tpu.memory_space<vmem_shared>>, %arg8: memref<40xi32, #tpu.memory_space<vmem>>, %arg9: memref<40xi32, #tpu.memory_space<vmem>>, %arg10: memref<40x128xf32, #tpu.memory_space<vmem>>, %arg11: memref<40x128xf32, #tpu.memory_space<vmem>>, %arg12: memref<40x128xf32, #tpu.memory_space<vmem>>, %arg13: memref<40x16xf32, #tpu.memory_space<vmem>>, %arg14: memref<64xf32, #tpu.memory_space<vmem>>, %arg15: memref<!tpu.dma_semaphore, #tpu.memory_space<semaphore_mem>>) attributes {dimension_semantics = [#tpu.dimension_semantics<core_parallel>, #tpu.dimension_semantics<subcore_parallel>], iteration_bounds = array<i64: 2, 16>, scalar_prefetch = 0 : i64, scratch_operands = 9 : i64, tpu.core_type = #tpu.core_type<sc_vector_subcore>, window_params = [{transform_indices = #map}, {transform_indices = #map1}, {transform_indices = #map1}, {transform_indices = #map2}, {transform_indices = #map}]} {
    %broadcast_in_dim3A = arith.constant 0.000000e+00 : f32
    %broadcast_in_dim3A_0 = vector.broadcast %broadcast_in_dim3A : f32 to vector<16xf32>
    %scan3A = arith.constant 0 : i32
    %scan3A_1 = arith.constant 0 : i32
    %scan3A_2 = arith.constant 40 : i32
    %scan3A_3 = arith.addi %scan3A_1, %scan3A_2 : i32
    %scan3A_4 = arith.constant 1 : i32
    scf.for %scan3A_34 = %scan3A_1 to %scan3A_3 step %scan3A_4  : i32 {
      %swap3A = arith.index_cast %scan3A_34 : i32 to index
      %swap3A_35 = arith.constant 0 : index
      %swap3A_36 = tpu.vector_load %arg12[%swap3A, %swap3A_35] {strides = array<i32>} : memref<40x128xf32, #tpu.memory_space<vmem>>, vector<1x16xf32>,
      %swap3A_37 = vector.shape_cast %swap3A_36 : vector<1x16xf32> to vector<16xf32>
      %swap3A_38 = vector.shape_cast %broadcast_in_dim3A_0 : vector<16xf32> to vector<1x16xf32>
      tpu.vector_store %arg12[%swap3A, %swap3A_35], %swap3A_38 {strides = array<i32>} : memref<40x128xf32, #tpu.memory_space<vmem>>, vector<1x16xf32>,
      %swap3A_39 = arith.index_cast %scan3A_34 : i32 to index
      %swap3A_40 = arith.constant 16 : index
      %swap3A_41 = tpu.vector_load %arg12[%swap3A_39, %swap3A_40] {strides = array<i32>} : memref<40x128xf32, #tpu.memory_space<vmem>>, vector<1x16xf32>,
      %swap3A_42 = vector.shape_cast %swap3A_41 : vector<1x16xf32> to vector<16xf32>
      %swap3A_43 = vector.shape_cast %broadcast_in_dim3A_0 : vector<16xf32> to vector<1x16xf32>
      tpu.vector_store %arg12[%swap3A_39, %swap3A_40], %swap3A_43 {strides = array<i32>} : memref<40x128xf32, #tpu.memory_space<vmem>>, vector<1x16xf32>,
      %swap3A_44 = arith.index_cast %scan3A_34 : i32 to index
      %swap3A_45 = arith.constant 32 : index
      %swap3A_46 = tpu.vector_load %arg12[%swap3A_44, %swap3A_45] {strides = array<i32>} : memref<40x128xf32, #tpu.memory_space<vmem>>, vector<1x16xf32>,
      %swap3A_47 = vector.shape_cast %swap3A_46 : vector<1x16xf32> to vector<16xf32>
      %swap3A_48 = vector.shape_cast %broadcast_in_dim3A_0 : vector<16xf32> to vector<1x16xf32>
      tpu.vector_store %arg12[%swap3A_44, %swap3A_45], %swap3A_48 {strides = array<i32>} : memref<40x128xf32, #tpu.memory_space<vmem>>, vector<1x16xf32>,
      %swap3A_49 = arith.index_cast %scan3A_34 : i32 to index
      %swap3A_50 = arith.constant 48 : index
      %swap3A_51 = tpu.vector_load %arg12[%swap3A_49, %swap3A_50] {strides = array<i32>} : memref<40x128xf32, #tpu.memory_space<vmem>>, vector<1x16xf32>,
      %swap3A_52 = vector.shape_cast %swap3A_51 : vector<1x16xf32> to vector<16xf32>
      %swap3A_53 = vector.shape_cast %broadcast_in_dim3A_0 : vector<16xf32> to vector<1x16xf32>
      tpu.vector_store %arg12[%swap3A_49, %swap3A_50], %swap3A_53 {strides = array<i32>} : memref<40x128xf32, #tpu.memory_space<vmem>>, vector<1x16xf32>,
      %swap3A_54 = arith.index_cast %scan3A_34 : i32 to index
      %swap3A_55 = arith.constant 64 : index
      %swap3A_56 = tpu.vector_load %arg12[%swap3A_54, %swap3A_55] {strides = array<i32>} : memref<40x128xf32, #tpu.memory_space<vmem>>, vector<1x16xf32>,
      %swap3A_57 = vector.shape_cast %swap3A_56 : vector<1x16xf32> to vector<16xf32>
      %swap3A_58 = vector.shape_cast %broadcast_in_dim3A_0 : vector<16xf32> to vector<1x16xf32>
      tpu.vector_store %arg12[%swap3A_54, %swap3A_55], %swap3A_58 {strides = array<i32>} : memref<40x128xf32, #tpu.memory_space<vmem>>, vector<1x16xf32>,
      %swap3A_59 = arith.index_cast %scan3A_34 : i32 to index
      %swap3A_60 = arith.constant 80 : index
      %swap3A_61 = tpu.vector_load %arg12[%swap3A_59, %swap3A_60] {strides = array<i32>} : memref<40x128xf32, #tpu.memory_space<vmem>>, vector<1x16xf32>,
      %swap3A_62 = vector.shape_cast %swap3A_61 : vector<1x16xf32> to vector<16xf32>
      %swap3A_63 = vector.shape_cast %broadcast_in_dim3A_0 : vector<16xf32> to vector<1x16xf32>
      tpu.vector_store %arg12[%swap3A_59, %swap3A_60], %swap3A_63 {strides = array<i32>} : memref<40x128xf32, #tpu.memory_space<vmem>>, vector<1x16xf32>,
      %swap3A_64 = arith.index_cast %scan3A_34 : i32 to index
      %swap3A_65 = arith.constant 96 : index
      %swap3A_66 = tpu.vector_load %arg12[%swap3A_64, %swap3A_65] {strides = array<i32>} : memref<40x128xf32, #tpu.memory_space<vmem>>, vector<1x16xf32>,
      %swap3A_67 = vector.shape_cast %swap3A_66 : vector<1x16xf32> to vector<16xf32>
      %swap3A_68 = vector.shape_cast %broadcast_in_dim3A_0 : vector<16xf32> to vector<1x16xf32>
      tpu.vector_store %arg12[%swap3A_64, %swap3A_65], %swap3A_68 {strides = array<i32>} : memref<40x128xf32, #tpu.memory_space<vmem>>, vector<1x16xf32>,
      %swap3A_69 = arith.index_cast %scan3A_34 : i32 to index
      %swap3A_70 = arith.constant 112 : index
      %swap3A_71 = tpu.vector_load %arg12[%swap3A_69, %swap3A_70] {strides = array<i32>} : memref<40x128xf32, #tpu.memory_space<vmem>>, vector<1x16xf32>,
      %swap3A_72 = vector.shape_cast %swap3A_71 : vector<1x16xf32> to vector<16xf32>
      %swap3A_73 = vector.shape_cast %broadcast_in_dim3A_0 : vector<16xf32> to vector<1x16xf32>
      tpu.vector_store %arg12[%swap3A_69, %swap3A_70], %swap3A_73 {strides = array<i32>} : memref<40x128xf32, #tpu.memory_space<vmem>>, vector<1x16xf32>,
    }
    %scan3A_5 = arith.constant 40 : i32
    %mul3A = arith.constant 632 : i32
    %mul3A_6 = arith.muli %arg1, %mul3A : i32
    %scan3A_7 = arith.constant 0 : i32
    %scan3A_8 = arith.constant 0 : i32
    %scan3A_9 = arith.constant 15 : i32
    %scan3A_10 = arith.addi %scan3A_8, %scan3A_9 : i32
    %scan3A_11 = arith.constant 1 : i32
    scf.for %scan3A_34 = %scan3A_8 to %scan3A_10 step %scan3A_11  : i32 {
      %mul3A_35 = arith.constant 40 : i32
      %mul3A_36 = arith.muli %scan3A_34, %mul3A_35 : i32
      %add3A_37 = arith.addi %mul3A_6, %mul3A_36 : i32
      "tpu.region"() ({
        %run_scoped3A = tpu.sem_alloc : memref<!tpu.dma_semaphore, #tpu.memory_space<semaphore_mem>>
        %dma_start3A = arith.constant 0 : i32
        %dma_start3A_38 = tpu.memref_slice %arg7[%add3A_37, %dma_start3A] : memref<10112x128xf32, #tpu.memory_space<vmem_shared>> -> memref<40x128xf32, #tpu.memory_space<vmem_shared>>
        %dma_start3A_39 = arith.constant 0 : i32
        %dma_start3A_40 = tpu.memref_slice %arg7[%add3A_37, %dma_start3A_39] : memref<10112x128xf32, #tpu.memory_space<vmem_shared>> -> memref<40x128xf32, #tpu.memory_space<vmem_shared>>
        tpu.enqueue_dma source(%arg12 : memref<40x128xf32, #tpu.memory_space<vmem>>) target(%dma_start3A_40 : memref<40x128xf32, #tpu.memory_space<vmem_shared>>) target_semaphore(%run_scoped3A : memref<!tpu.dma_semaphore, #tpu.memory_space<semaphore_mem>>)
        %dma_wait3A = arith.constant 0 : i32
        %dma_wait3A_41 = tpu.memref_slice %arg7[%add3A_37, %dma_wait3A] : memref<10112x128xf32, #tpu.memory_space<vmem_shared>> -> memref<40x128xf32, #tpu.memory_space<vmem_shared>>
        %dma_wait3A_42 = arith.constant 0 : i32
        %dma_wait3A_43 = tpu.memref_slice %arg7[%add3A_37, %dma_wait3A_42] : memref<10112x128xf32, #tpu.memory_space<vmem_shared>> -> memref<40x128xf32, #tpu.memory_space<vmem_shared>>
        tpu.wait_dma2 semaphore(%run_scoped3A : memref<!tpu.dma_semaphore, #tpu.memory_space<semaphore_mem>>) src(%arg12 : memref<40x128xf32, #tpu.memory_space<vmem>>) dst(%dma_wait3A_43 : memref<40x128xf32, #tpu.memory_space<vmem_shared>>)
        tpu.yield
      }) : () -> ()
    }
    %scan3A_12 = arith.constant 15 : i32
    %add3A = arith.constant 600 : i32
    %add3A_13 = arith.addi %mul3A_6, %add3A : i32
    "tpu.region"() ({
      %run_scoped3A = tpu.sem_alloc : memref<!tpu.dma_semaphore, #tpu.memory_space<semaphore_mem>>
      %dma_start3A = arith.constant 0 : i32
      %dma_start3A_34 = arith.constant 0 : i32
      %dma_start3A_35 = tpu.memref_slice %arg12[%dma_start3A, %dma_start3A_34] : memref<40x128xf32, #tpu.memory_space<vmem>> -> memref<32x128xf32, #tpu.memory_space<vmem>>
      %dma_start3A_36 = arith.constant 0 : i32
      %dma_start3A_37 = tpu.memref_slice %arg7[%add3A_13, %dma_start3A_36] : memref<10112x128xf32, #tpu.memory_space<vmem_shared>> -> memref<32x128xf32, #tpu.memory_space<vmem_shared>>
      %dma_start3A_38 = arith.constant 0 : i32
      %dma_start3A_39 = tpu.memref_slice %arg7[%add3A_13, %dma_start3A_38] : memref<10112x128xf32, #tpu.memory_space<vmem_shared>> -> memref<32x128xf32, #tpu.memory_space<vmem_shared>>
      %dma_start3A_40 = arith.constant 0 : i32
      %dma_start3A_41 = arith.constant 0 : i32
      %dma_start3A_42 = tpu.memref_slice %arg12[%dma_start3A_40, %dma_start3A_41] : memref<40x128xf32, #tpu.memory_space<vmem>> -> memref<32x128xf32, #tpu.memory_space<vmem>>
      tpu.enqueue_dma source(%dma_start3A_42 : memref<32x128xf32, #tpu.memory_space<vmem>>) target(%dma_start3A_39 : memref<32x128xf32, #tpu.memory_space<vmem_shared>>) target_semaphore(%run_scoped3A : memref<!tpu.dma_semaphore, #tpu.memory_space<semaphore_mem>>)
      %dma_wait3A = arith.constant 0 : i32
      %dma_wait3A_43 = arith.constant 0 : i32
      %dma_wait3A_44 = tpu.memref_slice %arg12[%dma_wait3A, %dma_wait3A_43] : memref<40x128xf32, #tpu.memory_space<vmem>> -> memref<32x128xf32, #tpu.memory_space<vmem>>
      %dma_wait3A_45 = arith.constant 0 : i32
      %dma_wait3A_46 = tpu.memref_slice %arg7[%add3A_13, %dma_wait3A_45] : memref<10112x128xf32, #tpu.memory_space<vmem_shared>> -> memref<32x128xf32, #tpu.memory_space<vmem_shared>>
      %dma_wait3A_47 = arith.constant 0 : i32
      %dma_wait3A_48 = tpu.memref_slice %arg7[%add3A_13, %dma_wait3A_47] : memref<10112x128xf32, #tpu.memory_space<vmem_shared>> -> memref<32x128xf32, #tpu.memory_space<vmem_shared>>
      %dma_wait3A_49 = arith.constant 0 : i32
      %dma_wait3A_50 = arith.constant 0 : i32
      %dma_wait3A_51 = tpu.memref_slice %arg12[%dma_wait3A_49, %dma_wait3A_50] : memref<40x128xf32, #tpu.memory_space<vmem>> -> memref<32x128xf32, #tpu.memory_space<vmem>>
      tpu.wait_dma2 semaphore(%run_scoped3A : memref<!tpu.dma_semaphore, #tpu.memory_space<semaphore_mem>>) src(%dma_wait3A_51 : memref<32x128xf32, #tpu.memory_space<vmem>>) dst(%dma_wait3A_48 : memref<32x128xf32, #tpu.memory_space<vmem_shared>>)
      tpu.yield
    }) : () -> ()
    %barrier3A = arith.constant 0 : index
    tpu.barrier barrier_id(%barrier3A)
    %mul3A_14 = arith.constant 16 : i32
    %mul3A_15 = arith.muli %arg0, %mul3A_14 : i32
    %add3A_16 = arith.addi %mul3A_15, %arg1 : i32
    %mul3A_17 = arith.constant 10000 : i32
    %mul3A_18 = arith.muli %add3A_16, %mul3A_17 : i32
    %iota3A = tpu.iota {dimensions = array<i32: 0>} : vector<16xi32>
    %scan3A_19 = arith.constant 0 : i32
    %scan3A_20 = arith.constant 0 : i32
    %scan3A_21 = arith.constant 250 : i32
    %scan3A_22 = arith.addi %scan3A_20, %scan3A_21 : i32
    %scan3A_23 = arith.constant 1 : i32
    scf.for %scan3A_34 = %scan3A_20 to %scan3A_22 step %scan3A_23  : i32 {
      %mul3A_35 = arith.constant 40 : i32
      %mul3A_36 = arith.muli %scan3A_34, %mul3A_35 : i32
      %add3A_37 = arith.addi %mul3A_18, %mul3A_36 : i32
      "tpu.region"() ({
        %run_scoped3A = tpu.sem_alloc : memref<!tpu.dma_semaphore, #tpu.memory_space<semaphore_mem>>
        %dma_start3A_54 = tpu.memref_slice %arg3[%add3A_37] : memref<320000xi32, #tpu.memory_space<hbm>> -> memref<40xi32, #tpu.memory_space<hbm>>
        %dma_start3A_55 = tpu.memref_slice %arg3[%add3A_37] : memref<320000xi32, #tpu.memory_space<hbm>> -> memref<40xi32, #tpu.memory_space<hbm>>
        tpu.enqueue_dma source(%dma_start3A_55 : memref<40xi32, #tpu.memory_space<hbm>>) target(%arg8 : memref<40xi32, #tpu.memory_space<vmem>>) target_semaphore(%run_scoped3A : memref<!tpu.dma_semaphore, #tpu.memory_space<semaphore_mem>>)
        %dma_wait3A_56 = tpu.memref_slice %arg3[%add3A_37] : memref<320000xi32, #tpu.memory_space<hbm>> -> memref<40xi32, #tpu.memory_space<hbm>>
        %dma_wait3A_57 = tpu.memref_slice %arg3[%add3A_37] : memref<320000xi32, #tpu.memory_space<hbm>> -> memref<40xi32, #tpu.memory_space<hbm>>
        tpu.wait_dma2 semaphore(%run_scoped3A : memref<!tpu.dma_semaphore, #tpu.memory_space<semaphore_mem>>) src(%dma_wait3A_57 : memref<40xi32, #tpu.memory_space<hbm>>) dst(%arg8 : memref<40xi32, #tpu.memory_space<vmem>>)
        tpu.yield
      }) : () -> ()
      "tpu.region"() ({
        %run_scoped3A = tpu.sem_alloc : memref<!tpu.dma_semaphore, #tpu.memory_space<semaphore_mem>>
        %dma_start3A_54 = tpu.memref_slice %arg4[%add3A_37] : memref<320000xi32, #tpu.memory_space<hbm>> -> memref<40xi32, #tpu.memory_space<hbm>>
        %dma_start3A_55 = tpu.memref_slice %arg4[%add3A_37] : memref<320000xi32, #tpu.memory_space<hbm>> -> memref<40xi32, #tpu.memory_space<hbm>>
        tpu.enqueue_dma source(%dma_start3A_55 : memref<40xi32, #tpu.memory_space<hbm>>) target(%arg9 : memref<40xi32, #tpu.memory_space<vmem>>) target_semaphore(%run_scoped3A : memref<!tpu.dma_semaphore, #tpu.memory_space<semaphore_mem>>)
        %dma_wait3A_56 = tpu.memref_slice %arg4[%add3A_37] : memref<320000xi32, #tpu.memory_space<hbm>> -> memref<40xi32, #tpu.memory_space<hbm>>
        %dma_wait3A_57 = tpu.memref_slice %arg4[%add3A_37] : memref<320000xi32, #tpu.memory_space<hbm>> -> memref<40xi32, #tpu.memory_space<hbm>>
        tpu.wait_dma2 semaphore(%run_scoped3A : memref<!tpu.dma_semaphore, #tpu.memory_space<semaphore_mem>>) src(%dma_wait3A_57 : memref<40xi32, #tpu.memory_space<hbm>>) dst(%arg9 : memref<40xi32, #tpu.memory_space<vmem>>)
        tpu.yield
      }) : () -> ()
      %dma_start3A = arith.constant 0 : i32
      %dma_start3A_38 = arith.constant 0 : i32
      %dma_start3A_39 = tpu.memref_slice %arg2[%dma_start3A, %dma_start3A_38] : memref<10000x128xf32, #tpu.memory_space<hbm>> -> memref<10000x128xf32, #tpu.memory_space<hbm>>
      tpu.enqueue_indirect_dma source(%dma_start3A_39 : memref<10000x128xf32, #tpu.memory_space<hbm>>) target(%arg10 : memref<40x128xf32, #tpu.memory_space<vmem>>) offsets(%arg8 : memref<40xi32, #tpu.memory_space<vmem>>) semaphore(%arg15 : memref<!tpu.dma_semaphore, #tpu.memory_space<semaphore_mem>>)
      %dma_wait3A = arith.constant 0 : i32
      %dma_wait3A_40 = arith.constant 0 : i32
      %dma_wait3A_41 = tpu.memref_slice %arg2[%dma_wait3A, %dma_wait3A_40] : memref<10000x128xf32, #tpu.memory_space<hbm>> -> memref<10000x128xf32, #tpu.memory_space<hbm>>
      tpu.wait_indirect_dma semaphore(%arg15 : memref<!tpu.dma_semaphore, #tpu.memory_space<semaphore_mem>>) src(%dma_wait3A_41 : memref<10000x128xf32, #tpu.memory_space<hbm>>) dst(%arg10 : memref<40x128xf32, #tpu.memory_space<vmem>>)
      %dma_start3A_42 = arith.constant 0 : i32
      %dma_start3A_43 = arith.constant 0 : i32
      %dma_start3A_44 = tpu.memref_slice %arg2[%dma_start3A_42, %dma_start3A_43] : memref<10000x128xf32, #tpu.memory_space<hbm>> -> memref<10000x128xf32, #tpu.memory_space<hbm>>
      tpu.enqueue_indirect_dma source(%dma_start3A_44 : memref<10000x128xf32, #tpu.memory_space<hbm>>) target(%arg11 : memref<40x128xf32, #tpu.memory_space<vmem>>) offsets(%arg9 : memref<40xi32, #tpu.memory_space<vmem>>) semaphore(%arg15 : memref<!tpu.dma_semaphore, #tpu.memory_space<semaphore_mem>>)
      %dma_wait3A_45 = arith.constant 0 : i32
      %dma_wait3A_46 = arith.constant 0 : i32
      %dma_wait3A_47 = tpu.memref_slice %arg2[%dma_wait3A_45, %dma_wait3A_46] : memref<10000x128xf32, #tpu.memory_space<hbm>> -> memref<10000x128xf32, #tpu.memory_space<hbm>>
      tpu.wait_indirect_dma semaphore(%arg15 : memref<!tpu.dma_semaphore, #tpu.memory_space<semaphore_mem>>) src(%dma_wait3A_47 : memref<10000x128xf32, #tpu.memory_space<hbm>>) dst(%arg11 : memref<40x128xf32, #tpu.memory_space<vmem>>)
      %scan3A_48 = arith.constant 0 : i32
      %scan3A_49 = arith.constant 0 : i32
      %scan3A_50 = arith.constant 40 : i32
      %scan3A_51 = arith.addi %scan3A_49, %scan3A_50 : i32
      %scan3A_52 = arith.constant 1 : i32
      scf.for %scan3A_54 = %scan3A_49 to %scan3A_51 step %scan3A_52  : i32 {
        %get3A = arith.index_cast %scan3A_54 : i32 to index
        %get3A_55 = arith.constant 0 : index
        %get3A_56 = tpu.vector_load %arg10[%get3A, %get3A_55] {strides = array<i32>} : memref<40x128xf32, #tpu.memory_space<vmem>>, vector<1x16xf32>,
        %get3A_57 = vector.shape_cast %get3A_56 : vector<1x16xf32> to vector<16xf32>
        %get3A_58 = arith.index_cast %scan3A_54 : i32 to index
        %get3A_59 = arith.constant 16 : index
        %get3A_60 = tpu.vector_load %arg10[%get3A_58, %get3A_59] {strides = array<i32>} : memref<40x128xf32, #tpu.memory_space<vmem>>, vector<1x16xf32>,
        %get3A_61 = vector.shape_cast %get3A_60 : vector<1x16xf32> to vector<16xf32>
        %get3A_62 = arith.index_cast %scan3A_54 : i32 to index
        %get3A_63 = arith.constant 32 : index
        %get3A_64 = tpu.vector_load %arg10[%get3A_62, %get3A_63] {strides = array<i32>} : memref<40x128xf32, #tpu.memory_space<vmem>>, vector<1x16xf32>,
        %get3A_65 = vector.shape_cast %get3A_64 : vector<1x16xf32> to vector<16xf32>
        %get3A_66 = arith.index_cast %scan3A_54 : i32 to index
        %get3A_67 = arith.constant 48 : index
        %get3A_68 = tpu.vector_load %arg10[%get3A_66, %get3A_67] {strides = array<i32>} : memref<40x128xf32, #tpu.memory_space<vmem>>, vector<1x16xf32>,
        %get3A_69 = vector.shape_cast %get3A_68 : vector<1x16xf32> to vector<16xf32>
        %get3A_70 = arith.index_cast %scan3A_54 : i32 to index
        %get3A_71 = arith.constant 64 : index
        %get3A_72 = tpu.vector_load %arg10[%get3A_70, %get3A_71] {strides = array<i32>} : memref<40x128xf32, #tpu.memory_space<vmem>>, vector<1x16xf32>,
        %get3A_73 = vector.shape_cast %get3A_72 : vector<1x16xf32> to vector<16xf32>
        %get3A_74 = arith.index_cast %scan3A_54 : i32 to index
        %get3A_75 = arith.constant 80 : index
        %get3A_76 = tpu.vector_load %arg10[%get3A_74, %get3A_75] {strides = array<i32>} : memref<40x128xf32, #tpu.memory_space<vmem>>, vector<1x16xf32>,
        %get3A_77 = vector.shape_cast %get3A_76 : vector<1x16xf32> to vector<16xf32>
        %get3A_78 = arith.index_cast %scan3A_54 : i32 to index
        %get3A_79 = arith.constant 96 : index
        %get3A_80 = tpu.vector_load %arg10[%get3A_78, %get3A_79] {strides = array<i32>} : memref<40x128xf32, #tpu.memory_space<vmem>>, vector<1x16xf32>,
        %get3A_81 = vector.shape_cast %get3A_80 : vector<1x16xf32> to vector<16xf32>
        %get3A_82 = arith.index_cast %scan3A_54 : i32 to index
        %get3A_83 = arith.constant 112 : index
        %get3A_84 = tpu.vector_load %arg10[%get3A_82, %get3A_83] {strides = array<i32>} : memref<40x128xf32, #tpu.memory_space<vmem>>, vector<1x16xf32>,
        %get3A_85 = vector.shape_cast %get3A_84 : vector<1x16xf32> to vector<16xf32>
        %get3A_86 = arith.index_cast %scan3A_54 : i32 to index
        %get3A_87 = arith.constant 0 : index
        %get3A_88 = tpu.vector_load %arg11[%get3A_86, %get3A_87] {strides = array<i32>} : memref<40x128xf32, #tpu.memory_space<vmem>>, vector<1x16xf32>,
        %get3A_89 = vector.shape_cast %get3A_88 : vector<1x16xf32> to vector<16xf32>
        %get3A_90 = arith.index_cast %scan3A_54 : i32 to index
        %get3A_91 = arith.constant 16 : index
        %get3A_92 = tpu.vector_load %arg11[%get3A_90, %get3A_91] {strides = array<i32>} : memref<40x128xf32, #tpu.memory_space<vmem>>, vector<1x16xf32>,
        %get3A_93 = vector.shape_cast %get3A_92 : vector<1x16xf32> to vector<16xf32>
        %get3A_94 = arith.index_cast %scan3A_54 : i32 to index
        %get3A_95 = arith.constant 32 : index
        %get3A_96 = tpu.vector_load %arg11[%get3A_94, %get3A_95] {strides = array<i32>} : memref<40x128xf32, #tpu.memory_space<vmem>>, vector<1x16xf32>,
        %get3A_97 = vector.shape_cast %get3A_96 : vector<1x16xf32> to vector<16xf32>
        %get3A_98 = arith.index_cast %scan3A_54 : i32 to index
        %get3A_99 = arith.constant 48 : index
        %get3A_100 = tpu.vector_load %arg11[%get3A_98, %get3A_99] {strides = array<i32>} : memref<40x128xf32, #tpu.memory_space<vmem>>, vector<1x16xf32>,
        %get3A_101 = vector.shape_cast %get3A_100 : vector<1x16xf32> to vector<16xf32>
        %get3A_102 = arith.index_cast %scan3A_54 : i32 to index
        %get3A_103 = arith.constant 64 : index
        %get3A_104 = tpu.vector_load %arg11[%get3A_102, %get3A_103] {strides = array<i32>} : memref<40x128xf32, #tpu.memory_space<vmem>>, vector<1x16xf32>,
        %get3A_105 = vector.shape_cast %get3A_104 : vector<1x16xf32> to vector<16xf32>
        %get3A_106 = arith.index_cast %scan3A_54 : i32 to index
        %get3A_107 = arith.constant 80 : index
        %get3A_108 = tpu.vector_load %arg11[%get3A_106, %get3A_107] {strides = array<i32>} : memref<40x128xf32, #tpu.memory_space<vmem>>, vector<1x16xf32>,
        %get3A_109 = vector.shape_cast %get3A_108 : vector<1x16xf32> to vector<16xf32>
        %get3A_110 = arith.index_cast %scan3A_54 : i32 to index
        %get3A_111 = arith.constant 96 : index
        %get3A_112 = tpu.vector_load %arg11[%get3A_110, %get3A_111] {strides = array<i32>} : memref<40x128xf32, #tpu.memory_space<vmem>>, vector<1x16xf32>,
        %get3A_113 = vector.shape_cast %get3A_112 : vector<1x16xf32> to vector<16xf32>
        %get3A_114 = arith.index_cast %scan3A_54 : i32 to index
        %get3A_115 = arith.constant 112 : index
        %get3A_116 = tpu.vector_load %arg11[%get3A_114, %get3A_115] {strides = array<i32>} : memref<40x128xf32, #tpu.memory_space<vmem>>, vector<1x16xf32>,
        %get3A_117 = vector.shape_cast %get3A_116 : vector<1x16xf32> to vector<16xf32>
        %mul3A_118 = arith.mulf %get3A_57, %get3A_89 : vector<16xf32>
        %mul3A_119 = arith.mulf %get3A_61, %get3A_93 : vector<16xf32>
        %add3A_120 = arith.addf %mul3A_118, %mul3A_119 : vector<16xf32>
        %mul3A_121 = arith.mulf %get3A_65, %get3A_97 : vector<16xf32>
        %add3A_122 = arith.addf %add3A_120, %mul3A_121 : vector<16xf32>
        %mul3A_123 = arith.mulf %get3A_69, %get3A_101 : vector<16xf32>
        %add3A_124 = arith.addf %add3A_122, %mul3A_123 : vector<16xf32>
        %mul3A_125 = arith.mulf %get3A_73, %get3A_105 : vector<16xf32>
        %mul3A_126 = arith.mulf %get3A_77, %get3A_109 : vector<16xf32>
        %add3A_127 = arith.addf %mul3A_125, %mul3A_126 : vector<16xf32>
        %mul3A_128 = arith.mulf %get3A_81, %get3A_113 : vector<16xf32>
        %add3A_129 = arith.addf %add3A_127, %mul3A_128 : vector<16xf32>
        %mul3A_130 = arith.mulf %get3A_85, %get3A_117 : vector<16xf32>
        %add3A_131 = arith.addf %add3A_129, %mul3A_130 : vector<16xf32>
        %swap3A = arith.constant 0 : index
        %swap3A_132 = tpu.vector_load %arg14[%swap3A] {strides = array<i32>} : memref<64xf32, #tpu.memory_space<vmem>>, vector<16xf32>,
        %swap3A_133 = vector.shape_cast %swap3A_132 : vector<16xf32> to vector<16xf32>
        %swap3A_134 = vector.shape_cast %add3A_124 : vector<16xf32> to vector<16xf32>
        tpu.vector_store %arg14[%swap3A], %swap3A_134 {strides = array<i32>} : memref<64xf32, #tpu.memory_space<vmem>>, vector<16xf32>,
        %swap3A_135 = arith.constant 32 : index
        %swap3A_136 = tpu.vector_load %arg14[%swap3A_135] {strides = array<i32>} : memref<64xf32, #tpu.memory_space<vmem>>, vector<16xf32>,
        %swap3A_137 = vector.shape_cast %swap3A_136 : vector<16xf32> to vector<16xf32>
        %swap3A_138 = vector.shape_cast %add3A_131 : vector<16xf32> to vector<16xf32>
        tpu.vector_store %arg14[%swap3A_135], %swap3A_138 {strides = array<i32>} : memref<64xf32, #tpu.memory_space<vmem>>, vector<16xf32>,
        %get3A_139 = arith.constant 8 : index
        %get3A_140 = tpu.vector_load %arg14[%get3A_139] {strides = array<i32>} : memref<64xf32, #tpu.memory_space<vmem>>, vector<16xf32>,
        %get3A_141 = vector.shape_cast %get3A_140 : vector<16xf32> to vector<16xf32>
        %add3A_142 = arith.addf %add3A_124, %get3A_141 : vector<16xf32>
        %get3A_143 = arith.constant 40 : index
        %get3A_144 = tpu.vector_load %arg14[%get3A_143] {strides = array<i32>} : memref<64xf32, #tpu.memory_space<vmem>>, vector<16xf32>,
        %get3A_145 = vector.shape_cast %get3A_144 : vector<16xf32> to vector<16xf32>
        %add3A_146 = arith.addf %add3A_131, %get3A_145 : vector<16xf32>
        %swap3A_147 = arith.constant 0 : index
        %swap3A_148 = tpu.vector_load %arg14[%swap3A_147] {strides = array<i32>} : memref<64xf32, #tpu.memory_space<vmem>>, vector<16xf32>,
        %swap3A_149 = vector.shape_cast %swap3A_148 : vector<16xf32> to vector<16xf32>
        %swap3A_150 = vector.shape_cast %add3A_142 : vector<16xf32> to vector<16xf32>
        tpu.vector_store %arg14[%swap3A_147], %swap3A_150 {strides = array<i32>} : memref<64xf32, #tpu.memory_space<vmem>>, vector<16xf32>,
        %swap3A_151 = arith.constant 32 : index
        %swap3A_152 = tpu.vector_load %arg14[%swap3A_151] {strides = array<i32>} : memref<64xf32, #tpu.memory_space<vmem>>, vector<16xf32>,
        %swap3A_153 = vector.shape_cast %swap3A_152 : vector<16xf32> to vector<16xf32>
        %swap3A_154 = vector.shape_cast %add3A_146 : vector<16xf32> to vector<16xf32>
        tpu.vector_store %arg14[%swap3A_151], %swap3A_154 {strides = array<i32>} : memref<64xf32, #tpu.memory_space<vmem>>, vector<16xf32>,
        %get3A_155 = arith.constant 4 : index
        %get3A_156 = tpu.vector_load %arg14[%get3A_155] {strides = array<i32>} : memref<64xf32, #tpu.memory_space<vmem>>, vector<16xf32>,
        %get3A_157 = vector.shape_cast %get3A_156 : vector<16xf32> to vector<16xf32>
        %add3A_158 = arith.addf %add3A_142, %get3A_157 : vector<16xf32>
        %get3A_159 = arith.constant 36 : index
        %get3A_160 = tpu.vector_load %arg14[%get3A_159] {strides = array<i32>} : memref<64xf32, #tpu.memory_space<vmem>>, vector<16xf32>,
        %get3A_161 = vector.shape_cast %get3A_160 : vector<16xf32> to vector<16xf32>
        %add3A_162 = arith.addf %add3A_146, %get3A_161 : vector<16xf32>
        %swap3A_163 = arith.constant 0 : index
        %swap3A_164 = tpu.vector_load %arg14[%swap3A_163] {strides = array<i32>} : memref<64xf32, #tpu.memory_space<vmem>>, vector<16xf32>,
        %swap3A_165 = vector.shape_cast %swap3A_164 : vector<16xf32> to vector<16xf32>
        %swap3A_166 = vector.shape_cast %add3A_158 : vector<16xf32> to vector<16xf32>
        tpu.vector_store %arg14[%swap3A_163], %swap3A_166 {strides = array<i32>} : memref<64xf32, #tpu.memory_space<vmem>>, vector<16xf32>,
        %swap3A_167 = arith.constant 32 : index
        %swap3A_168 = tpu.vector_load %arg14[%swap3A_167] {strides = array<i32>} : memref<64xf32, #tpu.memory_space<vmem>>, vector<16xf32>,
        %swap3A_169 = vector.shape_cast %swap3A_168 : vector<16xf32> to vector<16xf32>
        %swap3A_170 = vector.shape_cast %add3A_162 : vector<16xf32> to vector<16xf32>
        tpu.vector_store %arg14[%swap3A_167], %swap3A_170 {strides = array<i32>} : memref<64xf32, #tpu.memory_space<vmem>>, vector<16xf32>,
        %get3A_171 = arith.constant 2 : index
        %get3A_172 = tpu.vector_load %arg14[%get3A_171] {strides = array<i32>} : memref<64xf32, #tpu.memory_space<vmem>>, vector<16xf32>,
        %get3A_173 = vector.shape_cast %get3A_172 : vector<16xf32> to vector<16xf32>
        %add3A_174 = arith.addf %add3A_158, %get3A_173 : vector<16xf32>
        %get3A_175 = arith.constant 34 : index
        %get3A_176 = tpu.vector_load %arg14[%get3A_175] {strides = array<i32>} : memref<64xf32, #tpu.memory_space<vmem>>, vector<16xf32>,
        %get3A_177 = vector.shape_cast %get3A_176 : vector<16xf32> to vector<16xf32>
        %add3A_178 = arith.addf %add3A_162, %get3A_177 : vector<16xf32>
        %swap3A_179 = arith.constant 0 : index
        %swap3A_180 = tpu.vector_load %arg14[%swap3A_179] {strides = array<i32>} : memref<64xf32, #tpu.memory_space<vmem>>, vector<16xf32>,
        %swap3A_181 = vector.shape_cast %swap3A_180 : vector<16xf32> to vector<16xf32>
        %swap3A_182 = vector.shape_cast %add3A_174 : vector<16xf32> to vector<16xf32>
        tpu.vector_store %arg14[%swap3A_179], %swap3A_182 {strides = array<i32>} : memref<64xf32, #tpu.memory_space<vmem>>, vector<16xf32>,
        %swap3A_183 = arith.constant 32 : index
        %swap3A_184 = tpu.vector_load %arg14[%swap3A_183] {strides = array<i32>} : memref<64xf32, #tpu.memory_space<vmem>>, vector<16xf32>,
        %swap3A_185 = vector.shape_cast %swap3A_184 : vector<16xf32> to vector<16xf32>
        %swap3A_186 = vector.shape_cast %add3A_178 : vector<16xf32> to vector<16xf32>
        tpu.vector_store %arg14[%swap3A_183], %swap3A_186 {strides = array<i32>} : memref<64xf32, #tpu.memory_space<vmem>>, vector<16xf32>,
        %get3A_187 = arith.constant 1 : index
        %get3A_188 = tpu.vector_load %arg14[%get3A_187] {strides = array<i32>} : memref<64xf32, #tpu.memory_space<vmem>>, vector<16xf32>,
        %get3A_189 = vector.shape_cast %get3A_188 : vector<16xf32> to vector<16xf32>
        %add3A_190 = arith.addf %add3A_174, %get3A_189 : vector<16xf32>
        %get3A_191 = arith.constant 33 : index
        %get3A_192 = tpu.vector_load %arg14[%get3A_191] {strides = array<i32>} : memref<64xf32, #tpu.memory_space<vmem>>, vector<16xf32>,
        %get3A_193 = vector.shape_cast %get3A_192 : vector<16xf32> to vector<16xf32>
        %add3A_194 = arith.addf %add3A_178, %get3A_193 : vector<16xf32>
        %slice3A = vector.extract_strided_slice %add3A_190 {offsets = [0], sizes = [1], strides = [1]} : vector<16xf32> to vector<1xf32>
        %squeeze3A = vector.extract %slice3A[0] : f32 from vector<1xf32>
        %slice3A_195 = vector.extract_strided_slice %add3A_194 {offsets = [0], sizes = [1], strides = [1]} : vector<16xf32> to vector<1xf32>
        %squeeze3A_196 = vector.extract %slice3A_195[0] : f32 from vector<1xf32>
        %mul3A_197 = arith.constant 2.000000e-01 : f32
        %mul3A_198 = arith.mulf %mul3A_197, %squeeze3A : f32
        %max3A = arith.maximumf %squeeze3A, %mul3A_198 : f32
        %mul3A_199 = arith.constant 2.000000e-01 : f32
        %mul3A_200 = arith.mulf %mul3A_199, %squeeze3A_196 : f32
        %max3A_201 = arith.maximumf %squeeze3A_196, %mul3A_200 : f32
        %broadcast_in_dim3A_202 = vector.broadcast %max3A : f32 to vector<16xf32>
        %exp3A = math.exp %broadcast_in_dim3A_202 : vector<16xf32>
        %broadcast_in_dim3A_203 = vector.broadcast %max3A_201 : f32 to vector<16xf32>
        %exp3A_204 = math.exp %broadcast_in_dim3A_203 : vector<16xf32>
        %mul3A_205 = arith.mulf %exp3A, %get3A_89 : vector<16xf32>
        %swap3A_206 = arith.index_cast %scan3A_54 : i32 to index
        %swap3A_207 = arith.constant 0 : index
        %swap3A_208 = tpu.vector_load %arg12[%swap3A_206, %swap3A_207] {strides = array<i32>} : memref<40x128xf32, #tpu.memory_space<vmem>>, vector<1x16xf32>,
        %swap3A_209 = vector.shape_cast %swap3A_208 : vector<1x16xf32> to vector<16xf32>
        %swap3A_210 = vector.shape_cast %mul3A_205 : vector<16xf32> to vector<1x16xf32>
        tpu.vector_store %arg12[%swap3A_206, %swap3A_207], %swap3A_210 {strides = array<i32>} : memref<40x128xf32, #tpu.memory_space<vmem>>, vector<1x16xf32>,
        %mul3A_211 = arith.mulf %exp3A, %get3A_93 : vector<16xf32>
        %swap3A_212 = arith.index_cast %scan3A_54 : i32 to index
        %swap3A_213 = arith.constant 16 : index
        %swap3A_214 = tpu.vector_load %arg12[%swap3A_212, %swap3A_213] {strides = array<i32>} : memref<40x128xf32, #tpu.memory_space<vmem>>, vector<1x16xf32>,
        %swap3A_215 = vector.shape_cast %swap3A_214 : vector<1x16xf32> to vector<16xf32>
        %swap3A_216 = vector.shape_cast %mul3A_211 : vector<16xf32> to vector<1x16xf32>
        tpu.vector_store %arg12[%swap3A_212, %swap3A_213], %swap3A_216 {strides = array<i32>} : memref<40x128xf32, #tpu.memory_space<vmem>>, vector<1x16xf32>,
        %mul3A_217 = arith.mulf %exp3A, %get3A_97 : vector<16xf32>
        %swap3A_218 = arith.index_cast %scan3A_54 : i32 to index
        %swap3A_219 = arith.constant 32 : index
        %swap3A_220 = tpu.vector_load %arg12[%swap3A_218, %swap3A_219] {strides = array<i32>} : memref<40x128xf32, #tpu.memory_space<vmem>>, vector<1x16xf32>,
        %swap3A_221 = vector.shape_cast %swap3A_220 : vector<1x16xf32> to vector<16xf32>
        %swap3A_222 = vector.shape_cast %mul3A_217 : vector<16xf32> to vector<1x16xf32>
        tpu.vector_store %arg12[%swap3A_218, %swap3A_219], %swap3A_222 {strides = array<i32>} : memref<40x128xf32, #tpu.memory_space<vmem>>, vector<1x16xf32>,
        %mul3A_223 = arith.mulf %exp3A, %get3A_101 : vector<16xf32>
        %swap3A_224 = arith.index_cast %scan3A_54 : i32 to index
        %swap3A_225 = arith.constant 48 : index
        %swap3A_226 = tpu.vector_load %arg12[%swap3A_224, %swap3A_225] {strides = array<i32>} : memref<40x128xf32, #tpu.memory_space<vmem>>, vector<1x16xf32>,
        %swap3A_227 = vector.shape_cast %swap3A_226 : vector<1x16xf32> to vector<16xf32>
        %swap3A_228 = vector.shape_cast %mul3A_223 : vector<16xf32> to vector<1x16xf32>
        tpu.vector_store %arg12[%swap3A_224, %swap3A_225], %swap3A_228 {strides = array<i32>} : memref<40x128xf32, #tpu.memory_space<vmem>>, vector<1x16xf32>,
        %mul3A_229 = arith.mulf %exp3A_204, %get3A_105 : vector<16xf32>
        %swap3A_230 = arith.index_cast %scan3A_54 : i32 to index
        %swap3A_231 = arith.constant 64 : index
        %swap3A_232 = tpu.vector_load %arg12[%swap3A_230, %swap3A_231] {strides = array<i32>} : memref<40x128xf32, #tpu.memory_space<vmem>>, vector<1x16xf32>,
        %swap3A_233 = vector.shape_cast %swap3A_232 : vector<1x16xf32> to vector<16xf32>
        %swap3A_234 = vector.shape_cast %mul3A_229 : vector<16xf32> to vector<1x16xf32>
        tpu.vector_store %arg12[%swap3A_230, %swap3A_231], %swap3A_234 {strides = array<i32>} : memref<40x128xf32, #tpu.memory_space<vmem>>, vector<1x16xf32>,
        %mul3A_235 = arith.mulf %exp3A_204, %get3A_109 : vector<16xf32>
        %swap3A_236 = arith.index_cast %scan3A_54 : i32 to index
        %swap3A_237 = arith.constant 80 : index
        %swap3A_238 = tpu.vector_load %arg12[%swap3A_236, %swap3A_237] {strides = array<i32>} : memref<40x128xf32, #tpu.memory_space<vmem>>, vector<1x16xf32>,
        %swap3A_239 = vector.shape_cast %swap3A_238 : vector<1x16xf32> to vector<16xf32>
        %swap3A_240 = vector.shape_cast %mul3A_235 : vector<16xf32> to vector<1x16xf32>
        tpu.vector_store %arg12[%swap3A_236, %swap3A_237], %swap3A_240 {strides = array<i32>} : memref<40x128xf32, #tpu.memory_space<vmem>>, vector<1x16xf32>,
        %mul3A_241 = arith.mulf %exp3A_204, %get3A_113 : vector<16xf32>
        %swap3A_242 = arith.index_cast %scan3A_54 : i32 to index
        %swap3A_243 = arith.constant 96 : index
        %swap3A_244 = tpu.vector_load %arg12[%swap3A_242, %swap3A_243] {strides = array<i32>} : memref<40x128xf32, #tpu.memory_space<vmem>>, vector<1x16xf32>,
        %swap3A_245 = vector.shape_cast %swap3A_244 : vector<1x16xf32> to vector<16xf32>
        %swap3A_246 = vector.shape_cast %mul3A_241 : vector<16xf32> to vector<1x16xf32>
        tpu.vector_store %arg12[%swap3A_242, %swap3A_243], %swap3A_246 {strides = array<i32>} : memref<40x128xf32, #tpu.memory_space<vmem>>, vector<1x16xf32>,
        %mul3A_247 = arith.mulf %exp3A_204, %get3A_117 : vector<16xf32>
        %swap3A_248 = arith.index_cast %scan3A_54 : i32 to index
        %swap3A_249 = arith.constant 112 : index
        %swap3A_250 = tpu.vector_load %arg12[%swap3A_248, %swap3A_249] {strides = array<i32>} : memref<40x128xf32, #tpu.memory_space<vmem>>, vector<1x16xf32>,
        %swap3A_251 = vector.shape_cast %swap3A_250 : vector<1x16xf32> to vector<16xf32>
        %swap3A_252 = vector.shape_cast %mul3A_247 : vector<16xf32> to vector<1x16xf32>
        tpu.vector_store %arg12[%swap3A_248, %swap3A_249], %swap3A_252 {strides = array<i32>} : memref<40x128xf32, #tpu.memory_space<vmem>>, vector<1x16xf32>,
        %eq3A = arith.constant 0 : i32
        %eq3A_253 = vector.broadcast %eq3A : i32 to vector<16xi32>
        %eq3A_254 = arith.cmpi eq, %iota3A, %eq3A_253 : vector<16xi32>
        %eq3A_255 = arith.constant 1 : i32
        %eq3A_256 = vector.broadcast %eq3A_255 : i32 to vector<16xi32>
        %eq3A_257 = arith.cmpi eq, %iota3A, %eq3A_256 : vector<16xi32>
        %jit3A = arith.constant 0.000000e+00 : f32
        %broadcast_in_dim3A_258 = vector.broadcast %jit3A : f32 to vector<16xf32>
        %select_n3A = arith.select %eq3A_257, %exp3A_204, %broadcast_in_dim3A_258 : vector<16xi1>, vector<16xf32>
        %select_n3A_259 = arith.select %eq3A_254, %exp3A, %select_n3A : vector<16xi1>, vector<16xf32>
        %swap3A_260 = arith.index_cast %scan3A_54 : i32 to index
        %swap3A_261 = arith.constant 0 : index
        %swap3A_262 = tpu.vector_load %arg13[%swap3A_260, %swap3A_261] {strides = array<i32>} : memref<40x16xf32, #tpu.memory_space<vmem>>, vector<1x16xf32>,
        %swap3A_263 = vector.shape_cast %swap3A_262 : vector<1x16xf32> to vector<16xf32>
        %swap3A_264 = vector.shape_cast %select_n3A_259 : vector<16xf32> to vector<1x16xf32>
        tpu.vector_store %arg13[%swap3A_260, %swap3A_261], %swap3A_264 {strides = array<i32>} : memref<40x16xf32, #tpu.memory_space<vmem>>, vector<1x16xf32>,
      }
      %scan3A_53 = arith.constant 40 : i32
      "tpu.region"() ({
        %run_scoped3A = tpu.sem_alloc : memref<!tpu.dma_semaphore, #tpu.memory_space<semaphore_mem>>
        %dma_start3A_54 = arith.constant 0 : i32
        %dma_start3A_55 = arith.constant 0 : i32
        %dma_start3A_56 = tpu.memref_slice %arg7[%dma_start3A_54, %dma_start3A_55] : memref<10112x128xf32, #tpu.memory_space<vmem_shared>> -> memref<10112x128xf32, #tpu.memory_space<vmem_shared>>
        tpu.enqueue_indirect_dma source(%arg12 : memref<40x128xf32, #tpu.memory_space<vmem>>) target(%dma_start3A_56 : memref<10112x128xf32, #tpu.memory_space<vmem_shared>>) offsets(%arg8 : memref<40xi32, #tpu.memory_space<vmem>>) semaphore(%run_scoped3A : memref<!tpu.dma_semaphore, #tpu.memory_space<semaphore_mem>>) {add = true}
        %dma_wait3A_57 = arith.constant 0 : i32
        %dma_wait3A_58 = arith.constant 0 : i32
        %dma_wait3A_59 = tpu.memref_slice %arg7[%dma_wait3A_57, %dma_wait3A_58] : memref<10112x128xf32, #tpu.memory_space<vmem_shared>> -> memref<10112x128xf32, #tpu.memory_space<vmem_shared>>
        tpu.wait_indirect_dma semaphore(%run_scoped3A : memref<!tpu.dma_semaphore, #tpu.memory_space<semaphore_mem>>) src(%arg12 : memref<40x128xf32, #tpu.memory_space<vmem>>) dst(%dma_wait3A_59 : memref<10112x128xf32, #tpu.memory_space<vmem_shared>>)
        tpu.yield
      }) : () -> ()
      "tpu.region"() ({
        %run_scoped3A = tpu.sem_alloc : memref<!tpu.dma_semaphore, #tpu.memory_space<semaphore_mem>>
        %dma_start3A_54 = arith.constant 0 : i32
        %dma_start3A_55 = tpu.memref_slice %arg6[%add3A_37, %dma_start3A_54] : memref<320000x16xf32, #tpu.memory_space<hbm>> -> memref<40x16xf32, #tpu.memory_space<hbm>>
        %dma_start3A_56 = arith.constant 0 : i32
        %dma_start3A_57 = tpu.memref_slice %arg6[%add3A_37, %dma_start3A_56] : memref<320000x16xf32, #tpu.memory_space<hbm>> -> memref<40x16xf32, #tpu.memory_space<hbm>>
        tpu.enqueue_dma source(%arg13 : memref<40x16xf32, #tpu.memory_space<vmem>>) target(%dma_start3A_57 : memref<40x16xf32, #tpu.memory_space<hbm>>) target_semaphore(%run_scoped3A : memref<!tpu.dma_semaphore, #tpu.memory_space<semaphore_mem>>)
        %dma_wait3A_58 = arith.constant 0 : i32
        %dma_wait3A_59 = tpu.memref_slice %arg6[%add3A_37, %dma_wait3A_58] : memref<320000x16xf32, #tpu.memory_space<hbm>> -> memref<40x16xf32, #tpu.memory_space<hbm>>
        %dma_wait3A_60 = arith.constant 0 : i32
        %dma_wait3A_61 = tpu.memref_slice %arg6[%add3A_37, %dma_wait3A_60] : memref<320000x16xf32, #tpu.memory_space<hbm>> -> memref<40x16xf32, #tpu.memory_space<hbm>>
        tpu.wait_dma2 semaphore(%run_scoped3A : memref<!tpu.dma_semaphore, #tpu.memory_space<semaphore_mem>>) src(%arg13 : memref<40x16xf32, #tpu.memory_space<vmem>>) dst(%dma_wait3A_61 : memref<40x16xf32, #tpu.memory_space<hbm>>)
        tpu.yield
      }) : () -> ()
    }
    %scan3A_24 = arith.constant 250 : i32
    %barrier3A_25 = arith.constant 0 : index
    tpu.barrier barrier_id(%barrier3A_25)
    %scan3A_26 = arith.constant 0 : i32
    %scan3A_27 = arith.constant 0 : i32
    %scan3A_28 = arith.constant 15 : i32
    %scan3A_29 = arith.addi %scan3A_27, %scan3A_28 : i32
    %scan3A_30 = arith.constant 1 : i32
    scf.for %scan3A_34 = %scan3A_27 to %scan3A_29 step %scan3A_30  : i32 {
      %mul3A_35 = arith.constant 40 : i32
      %mul3A_36 = arith.muli %scan3A_34, %mul3A_35 : i32
      %add3A_37 = arith.addi %mul3A_6, %mul3A_36 : i32
      "tpu.region"() ({
        %run_scoped3A = tpu.sem_alloc : memref<!tpu.dma_semaphore, #tpu.memory_space<semaphore_mem>>
        %dma_start3A = arith.constant 0 : i32
        %dma_start3A_38 = tpu.memref_slice %arg7[%add3A_37, %dma_start3A] : memref<10112x128xf32, #tpu.memory_space<vmem_shared>> -> memref<40x128xf32, #tpu.memory_space<vmem_shared>>
        %dma_start3A_39 = arith.constant 0 : i32
        %dma_start3A_40 = tpu.memref_slice %arg7[%add3A_37, %dma_start3A_39] : memref<10112x128xf32, #tpu.memory_space<vmem_shared>> -> memref<40x128xf32, #tpu.memory_space<vmem_shared>>
        tpu.enqueue_dma source(%dma_start3A_40 : memref<40x128xf32, #tpu.memory_space<vmem_shared>>) target(%arg12 : memref<40x128xf32, #tpu.memory_space<vmem>>) target_semaphore(%run_scoped3A : memref<!tpu.dma_semaphore, #tpu.memory_space<semaphore_mem>>)
        %dma_wait3A = arith.constant 0 : i32
        %dma_wait3A_41 = tpu.memref_slice %arg7[%add3A_37, %dma_wait3A] : memref<10112x128xf32, #tpu.memory_space<vmem_shared>> -> memref<40x128xf32, #tpu.memory_space<vmem_shared>>
        %dma_wait3A_42 = arith.constant 0 : i32
        %dma_wait3A_43 = tpu.memref_slice %arg7[%add3A_37, %dma_wait3A_42] : memref<10112x128xf32, #tpu.memory_space<vmem_shared>> -> memref<40x128xf32, #tpu.memory_space<vmem_shared>>
        tpu.wait_dma2 semaphore(%run_scoped3A : memref<!tpu.dma_semaphore, #tpu.memory_space<semaphore_mem>>) src(%dma_wait3A_43 : memref<40x128xf32, #tpu.memory_space<vmem_shared>>) dst(%arg12 : memref<40x128xf32, #tpu.memory_space<vmem>>)
        tpu.yield
      }) : () -> ()
      "tpu.region"() ({
        %run_scoped3A = tpu.sem_alloc : memref<!tpu.dma_semaphore, #tpu.memory_space<semaphore_mem>>
        %dma_start3A = arith.constant 0 : i32
        %dma_start3A_38 = tpu.memref_slice %arg5[%arg0, %add3A_37, %dma_start3A] : memref<2x10112x128xf32, #tpu.memory_space<hbm>> -> memref<1x40x128xf32, #tpu.memory_space<hbm>>
        %dma_start3A_39 = tpu.memref_squeeze %dma_start3A_38 : memref<1x40x128xf32, #tpu.memory_space<hbm>> -> memref<40x128xf32, #tpu.memory_space<hbm>>
        %dma_start3A_40 = arith.constant 0 : i32
        %dma_start3A_41 = tpu.memref_slice %arg5[%arg0, %add3A_37, %dma_start3A_40] : memref<2x10112x128xf32, #tpu.memory_space<hbm>> -> memref<1x40x128xf32, #tpu.memory_space<hbm>>
        %dma_start3A_42 = tpu.memref_squeeze %dma_start3A_41 : memref<1x40x128xf32, #tpu.memory_space<hbm>> -> memref<40x128xf32, #tpu.memory_space<hbm>>
        tpu.enqueue_dma source(%arg12 : memref<40x128xf32, #tpu.memory_space<vmem>>) target(%dma_start3A_42 : memref<40x128xf32, #tpu.memory_space<hbm>>) target_semaphore(%run_scoped3A : memref<!tpu.dma_semaphore, #tpu.memory_space<semaphore_mem>>)
        %dma_wait3A = arith.constant 0 : i32
        %dma_wait3A_43 = tpu.memref_slice %arg5[%arg0, %add3A_37, %dma_wait3A] : memref<2x10112x128xf32, #tpu.memory_space<hbm>> -> memref<1x40x128xf32, #tpu.memory_space<hbm>>
        %dma_wait3A_44 = tpu.memref_squeeze %dma_wait3A_43 : memref<1x40x128xf32, #tpu.memory_space<hbm>> -> memref<40x128xf32, #tpu.memory_space<hbm>>
        %dma_wait3A_45 = arith.constant 0 : i32
        %dma_wait3A_46 = tpu.memref_slice %arg5[%arg0, %add3A_37, %dma_wait3A_45] : memref<2x10112x128xf32, #tpu.memory_space<hbm>> -> memref<1x40x128xf32, #tpu.memory_space<hbm>>
        %dma_wait3A_47 = tpu.memref_squeeze %dma_wait3A_46 : memref<1x40x128xf32, #tpu.memory_space<hbm>> -> memref<40x128xf32, #tpu.memory_space<hbm>>
        tpu.wait_dma2 semaphore(%run_scoped3A : memref<!tpu.dma_semaphore, #tpu.memory_space<semaphore_mem>>) src(%arg12 : memref<40x128xf32, #tpu.memory_space<vmem>>) dst(%dma_wait3A_47 : memref<40x128xf32, #tpu.memory_space<hbm>>)
        tpu.yield
      }) : () -> ()
    }
    %scan3A_31 = arith.constant 15 : i32
    %add3A_32 = arith.constant 600 : i32
    %add3A_33 = arith.addi %mul3A_6, %add3A_32 : i32
    "tpu.region"() ({
      %run_scoped3A = tpu.sem_alloc : memref<!tpu.dma_semaphore, #tpu.memory_space<semaphore_mem>>
      %dma_start3A = arith.constant 0 : i32
      %dma_start3A_34 = arith.constant 0 : i32
      %dma_start3A_35 = tpu.memref_slice %arg12[%dma_start3A, %dma_start3A_34] : memref<40x128xf32, #tpu.memory_space<vmem>> -> memref<32x128xf32, #tpu.memory_space<vmem>>
      %dma_start3A_36 = arith.constant 0 : i32
      %dma_start3A_37 = tpu.memref_slice %arg7[%add3A_33, %dma_start3A_36] : memref<10112x128xf32, #tpu.memory_space<vmem_shared>> -> memref<32x128xf32, #tpu.memory_space<vmem_shared>>
      %dma_start3A_38 = arith.constant 0 : i32
      %dma_start3A_39 = arith.constant 0 : i32
      %dma_start3A_40 = tpu.memref_slice %arg12[%dma_start3A_38, %dma_start3A_39] : memref<40x128xf32, #tpu.memory_space<vmem>> -> memref<32x128xf32, #tpu.memory_space<vmem>>
      %dma_start3A_41 = arith.constant 0 : i32
      %dma_start3A_42 = tpu.memref_slice %arg7[%add3A_33, %dma_start3A_41] : memref<10112x128xf32, #tpu.memory_space<vmem_shared>> -> memref<32x128xf32, #tpu.memory_space<vmem_shared>>
      tpu.enqueue_dma source(%dma_start3A_42 : memref<32x128xf32, #tpu.memory_space<vmem_shared>>) target(%dma_start3A_40 : memref<32x128xf32, #tpu.memory_space<vmem>>) target_semaphore(%run_scoped3A : memref<!tpu.dma_semaphore, #tpu.memory_space<semaphore_mem>>)
      %dma_wait3A = arith.constant 0 : i32
      %dma_wait3A_43 = arith.constant 0 : i32
      %dma_wait3A_44 = tpu.memref_slice %arg12[%dma_wait3A, %dma_wait3A_43] : memref<40x128xf32, #tpu.memory_space<vmem>> -> memref<32x128xf32, #tpu.memory_space<vmem>>
      %dma_wait3A_45 = arith.constant 0 : i32
      %dma_wait3A_46 = tpu.memref_slice %arg7[%add3A_33, %dma_wait3A_45] : memref<10112x128xf32, #tpu.memory_space<vmem_shared>> -> memref<32x128xf32, #tpu.memory_space<vmem_shared>>
      %dma_wait3A_47 = arith.constant 0 : i32
      %dma_wait3A_48 = arith.constant 0 : i32
      %dma_wait3A_49 = tpu.memref_slice %arg12[%dma_wait3A_47, %dma_wait3A_48] : memref<40x128xf32, #tpu.memory_space<vmem>> -> memref<32x128xf32, #tpu.memory_space<vmem>>
      %dma_wait3A_50 = arith.constant 0 : i32
      %dma_wait3A_51 = tpu.memref_slice %arg7[%add3A_33, %dma_wait3A_50] : memref<10112x128xf32, #tpu.memory_space<vmem_shared>> -> memref<32x128xf32, #tpu.memory_space<vmem_shared>>
      tpu.wait_dma2 semaphore(%run_scoped3A : memref<!tpu.dma_semaphore, #tpu.memory_space<semaphore_mem>>) src(%dma_wait3A_51 : memref<32x128xf32, #tpu.memory_space<vmem_shared>>) dst(%dma_wait3A_49 : memref<32x128xf32, #tpu.memory_space<vmem>>)
      tpu.yield
    }) : () -> ()
    "tpu.region"() ({
      %run_scoped3A = tpu.sem_alloc : memref<!tpu.dma_semaphore, #tpu.memory_space<semaphore_mem>>
      %dma_start3A = arith.constant 0 : i32
      %dma_start3A_34 = arith.constant 0 : i32
      %dma_start3A_35 = tpu.memref_slice %arg12[%dma_start3A, %dma_start3A_34] : memref<40x128xf32, #tpu.memory_space<vmem>> -> memref<32x128xf32, #tpu.memory_space<vmem>>
      %dma_start3A_36 = arith.constant 0 : i32
      %dma_start3A_37 = tpu.memref_slice %arg5[%arg0, %add3A_33, %dma_start3A_36] : memref<2x10112x128xf32, #tpu.memory_space<hbm>> -> memref<1x32x128xf32, #tpu.memory_space<hbm>>
      %dma_start3A_38 = tpu.memref_squeeze %dma_start3A_37 : memref<1x32x128xf32, #tpu.memory_space<hbm>> -> memref<32x128xf32, #tpu.memory_space<hbm>>
      %dma_start3A_39 = arith.constant 0 : i32
      %dma_start3A_40 = tpu.memref_slice %arg5[%arg0, %add3A_33, %dma_start3A_39] : memref<2x10112x128xf32, #tpu.memory_space<hbm>> -> memref<1x32x128xf32, #tpu.memory_space<hbm>>
      %dma_start3A_41 = tpu.memref_squeeze %dma_start3A_40 : memref<1x32x128xf32, #tpu.memory_space<hbm>> -> memref<32x128xf32, #tpu.memory_space<hbm>>
      %dma_start3A_42 = arith.constant 0 : i32
      %dma_start3A_43 = arith.constant 0 : i32
      %dma_start3A_44 = tpu.memref_slice %arg12[%dma_start3A_42, %dma_start3A_43] : memref<40x128xf32, #tpu.memory_space<vmem>> -> memref<32x128xf32, #tpu.memory_space<vmem>>
      tpu.enqueue_dma source(%dma_start3A_44 : memref<32x128xf32, #tpu.memory_space<vmem>>) target(%dma_start3A_41 : memref<32x128xf32, #tpu.memory_space<hbm>>) target_semaphore(%run_scoped3A : memref<!tpu.dma_semaphore, #tpu.memory_space<semaphore_mem>>)
      %dma_wait3A = arith.constant 0 : i32
      %dma_wait3A_45 = arith.constant 0 : i32
      %dma_wait3A_46 = tpu.memref_slice %arg12[%dma_wait3A, %dma_wait3A_45] : memref<40x128xf32, #tpu.memory_space<vmem>> -> memref<32x128xf32, #tpu.memory_space<vmem>>
      %dma_wait3A_47 = arith.constant 0 : i32
      %dma_wait3A_48 = tpu.memref_slice %arg5[%arg0, %add3A_33, %dma_wait3A_47] : memref<2x10112x128xf32, #tpu.memory_space<hbm>> -> memref<1x32x128xf32, #tpu.memory_space<hbm>>
      %dma_wait3A_49 = tpu.memref_squeeze %dma_wait3A_48 : memref<1x32x128xf32, #tpu.memory_space<hbm>> -> memref<32x128xf32, #tpu.memory_space<hbm>>
      %dma_wait3A_50 = arith.constant 0 : i32
      %dma_wait3A_51 = tpu.memref_slice %arg5[%arg0, %add3A_33, %dma_wait3A_50] : memref<2x10112x128xf32, #tpu.memory_space<hbm>> -> memref<1x32x128xf32, #tpu.memory_space<hbm>>
      %dma_wait3A_52 = tpu.memref_squeeze %dma_wait3A_51 : memref<1x32x128xf32, #tpu.memory_space<hbm>> -> memref<32x128xf32, #tpu.memory_space<hbm>>
      %dma_wait3A_53 = arith.constant 0 : i32
      %dma_wait3A_54 = arith.constant 0 : i32
      %dma_wait3A_55 = tpu.memref_slice %arg12[%dma_wait3A_53, %dma_wait3A_54] : memref<40x128xf32, #tpu.memory_space<vmem>> -> memref<32x128xf32, #tpu.memory_space<vmem>>
      tpu.wait_dma2 semaphore(%run_scoped3A : memref<!tpu.dma_semaphore, #tpu.memory_space<semaphore_mem>>) src(%dma_wait3A_55 : memref<32x128xf32, #tpu.memory_space<vmem>>) dst(%dma_wait3A_52 : memref<32x128xf32, #tpu.memory_space<hbm>>)
      tpu.yield
    }) : () -> ()
    return
  }
}

</mosaic_0001>

<sc_bundles>
// kernel: _edge_pass.4.cloned.1.call-start
scs
__scs_entry_jumppad:
0x0: {  	(pc) =	sbr.rel $0x88, $3  }
0x1: {  	(tag) =	ssettag $0x0;
	lr =	simm.s32 $0x1  }
0x2: {  	[smem:$0x3F9E] =	sst lr;
	_ =	strace $0xD0000000  }
0x3: {  	_ = 	snop  }
0x4: {  	_ = 	snop  }
0x5: {  	_ = 	snop  }
0x6: {  	_ = 	snop  }
0x7: {  	_ = 	snop  }
__scs_overlays_trampoline_lowered:
0x8: {  	[smem:$0x3FAD] =	sst s0  }
0x9: {  	[smem:$0x3FAE] =	sst s1  }
0xa: {  	[smem:$0x3FAF] =	sst s2  }
0xb: {  	[smem:$0x3FB0] =	sst s3  }
0xc: {  	[smem:$0x3FB1] =	sst s4  }
0xd: {  	[smem:$0x3FB2] =	sst s5  }
0xe: {  	[smem:$0x3FB3] =	sst s6  }
0xf: {  	[smem:$0x3FB4] =	sst s7  }
0x10: {  	[smem:$0x3FB5] =	sst s8  }
0x11: {  	[smem:$0x3FB6] =	sst s9;
	s0 =	simm.s32 @!p0 $0x0  }
0x12: {  	s1 =	sld [smem:$0x3F9C];
	s0 =	simm.s32 @p0 $0x1  }
0x13: {  	[smem:$0x3FB7] =	sst s0;
	s0 =	simm.s32 @!p1 $0x0  }
0x14: {  	s2 =	sld [smem:$0x3F9B];
	s0 =	simm.s32 @p1 $0x1  }
0x15: {  	[smem:$0x3FB8] =	sst s0;
	s0 =	simm.s32 @!p2 $0x0  }
0x16: {  	s3 =	sld [smem:$0x3FDB];
	s0 =	simm.s32 @p2 $0x1  }
0x17: {  	s4 =	simm.s32 $0x1BF5;
	[smem:$0x3FBA] =	sst s0  }
0x18: {  	s0 =	sld [smem:$0x3F9D];
	_ =	swait.ge [sflag:s4], $0x0  }
0x19: {  	s7 =	sld [smem:$0x3F9E]  }
0x1a: {  	s8 =	sadd.s32 $0xFFFFE003, lr  }
0x1b: {  	s9 =	sadd.s32 $0xFFFFFEF7, lr;
	s5 =	simm.s32 $0xFFFFFFFF;
	p2 =	slt.u32 s8, $0xFFFFF086  }
0x1c: {  	p1 =	slt.u32 s9, $0xF7A;
	s5 =	simm.s32 @!p2 $0x0  }
0x1d: {  	s5 =	simm.s32 @p1 $0x1;
	p0 =	seq.s32 s7, s2  }
0x1e: {  	s7 =	smul.u32 @!p0 $0xF7A, s2;
	p2 =	seq.s32 @!p0 s5, $0x0  }
0x1f: {  	s9 =	smul.u32 $0xF7A, s1;
	s8 =	simm.s32 @!p0 $0x1BF5;
	p2 =	por !p2, p0  }
0x20: {  	[sflag:s8] =	ssyncset.s32 @!p0 $0xFFFFF086;
	s6 =	sadd.s32 @!p0 s3, s7;
	s7 =	simm.s32 @!p0 $0x108  }
0x21: {  	s3 =	sadd.s32 s3, s9;
	s6 =	sadd.s32 @!p0 $0x88, s6;
	s7 =	simm.s32 @p2 $0x1082  }
0x22: {  	[simem:s7], [sflag:s8] =	dma.local @!p0 [hbm:s6], $0xF7A  }
0x23: {  	s9 =	sor.u32 $0xD0000000, s2;
	s6 =	simm.s32 $0x108;
	_ =	swait.ge @!p0 [sflag:s8], $0x0  }
0x24: {  	s3 =	sadd.s32 $0x88, s3;
	s6 =	simm.s32 @!p1 $0x1082;
	[sflag:s4] =	ssyncset.s32 $0xFFFFF086  }
0x25: {  	[simem:s6], [sflag:s4] =	dma.local [hbm:s3], $0xF7A  }
0x26: {  	[smem:$0x3F9E] =	sst s1;
	(tag) =	ssettag s2;
	_ =	strace s9  }
0x27: {  	s1 =	sld [smem:$0x3FAE]  }
0x28: {  	s2 =	sld [smem:$0x3FAF]  }
0x29: {  	s4 =	sld [smem:$0x3FB1]  }
0x2a: {  	p0 =	seq.s32 s5, $0x0;
	s5 =	sld [smem:$0x3FB2]  }
0x2b: {  	s6 =	sld [smem:$0x3FB3]  }
0x2c: {  	s7 =	sld [smem:$0x3FB4]  }
0x2d: {  	s3 =	simm.s32 $0x108;
	s8 =	sld [smem:$0x3FB5]  }
0x2e: {  	s3 =	simm.s32 @!p0 $0x1082;
	s9 =	sld [smem:$0x3FB6]  }
0x2f: {  	lr =	sadd.s32 s0, s3;
	s0 =	sld [smem:$0x3FAD]  }
0x30: {  	s3 =	sld [smem:$0x3FB0]  }
0x31: {  	[smem:$0x3FB9] =	sst s10  }
0x32: {  	s10 =	sld [smem:$0x3FB7];
	_ =	sdelay $0x3  }
0x33: {  	p0 =	seq.s32 s10, $0x1;
	s10 =	sld [smem:$0x3FB9];
	_ =	sdelay $0x3  }
0x34: {  	[smem:$0x3FB9] =	sst s10  }
0x35: {  	s10 =	sld [smem:$0x3FB8];
	_ =	sdelay $0x3  }
0x36: {  	p1 =	seq.s32 s10, $0x1;
	s10 =	sld [smem:$0x3FB9];
	_ =	sdelay $0x3  }
0x37: {  	[smem:$0x3FB9] =	sst s10  }
0x38: {  	s10 =	sld [smem:$0x3FBA]  }
0x39: {  	_ = 	snop;
	(pc) =	sbr.ind lr, $3  }
0x3a: {  	_ = 	snop  }
0x3b: {  	_ = 	snop  }
0x3c: {  	p2 =	seq.s32 s10, $0x1;
	s10 =	sld [smem:$0x3FB9]  }
0x3d: {  	_ =	shalt  }
0x3e: {  	_ =	shalt  }
0x3f: {  	_ =	shalt  }
0x40: {  	_ =	shalt  }
0x41: {  	_ =	shalt  }
0x42: {  	_ =	shalt  }
0x43: {  	_ =	shalt  }
0x44: {  	_ =	shalt  }
0x45: {  	_ =	shalt  }
0x46: {  	_ =	shalt  }
0x47: {  	_ =	shalt  }
0x48: {  	_ =	shalt  }
0x49: {  	_ =	shalt  }
0x4a: {  	_ =	shalt  }
0x4b: {  	_ =	shalt  }
0x4c: {  	_ =	shalt  }
0x4d: {  	_ =	shalt  }
0x4e: {  	_ =	shalt  }
0x4f: {  	_ =	shalt  }
0x50: {  	_ =	shalt  }
0x51: {  	_ =	shalt  }
0x52: {  	_ =	shalt  }
0x53: {  	_ =	shalt  }
0x54: {  	_ =	shalt  }
0x55: {  	_ =	shalt  }
0x56: {  	_ =	shalt  }
0x57: {  	_ =	shalt  }
0x58: {  	_ =	shalt  }
0x59: {  	_ =	shalt  }
0x5a: {  	_ =	shalt  }
0x5b: {  	_ =	shalt  }
0x5c: {  	_ =	shalt  }
0x5d: {  	_ =	shalt  }
0x5e: {  	_ =	shalt  }
0x5f: {  	_ =	shalt  }
0x60: {  	_ =	shalt  }
0x61: {  	_ =	shalt  }
0x62: {  	_ =	shalt  }
0x63: {  	_ =	shalt  }
0x64: {  	_ =	shalt  }
0x65: {  	_ =	shalt  }
0x66: {  	_ =	shalt  }
0x67: {  	_ =	shalt  }
0x68: {  	_ =	shalt  }
0x69: {  	_ =	shalt  }
0x6a: {  	_ =	shalt  }
0x6b: {  	_ =	shalt  }
0x6c: {  	_ =	shalt  }
0x6d: {  	_ =	shalt  }
0x6e: {  	_ =	shalt  }
0x6f: {  	_ =	shalt  }
0x70: {  	_ =	shalt  }
0x71: {  	_ =	shalt  }
0x72: {  	_ =	shalt  }
0x73: {  	_ =	shalt  }
0x74: {  	_ =	shalt  }
0x75: {  	_ =	shalt  }
0x76: {  	_ =	shalt  }
0x77: {  	_ =	shalt  }
0x78: {  	_ =	shalt  }
0x79: {  	_ =	shalt  }
0x7a: {  	_ =	shalt  }
0x7b: {  	_ =	shalt  }
0x7c: {  	_ =	shalt  }
0x7d: {  	_ =	shalt  }
0x7e: {  	_ =	shalt  }
0x7f: {  	_ =	shalt  }
0x80: {  	_ =	shalt  }
0x81: {  	_ =	shalt  }
0x82: {  	_ =	shalt  }
0x83: {  	_ =	shalt  }
0x84: {  	_ =	shalt  }
0x85: {  	_ =	shalt  }
0x86: {  	_ =	shalt  }
0x87: {  	_ =	shalt  }
.Lfunc_end0:
.L_simem_size_0:
called_computation_lowered:
.L_overlay_start_0:
0x88: {  	s2 =	sld [smem:$0x3FD9]  }
0x89: {  	s3 =	sld [smem:$0x3FFE];
	_ =	sdelay $0x1  }
0x8a: {  	s1 =	srdreg.scid  }
0x8b: {  	s0 =	sand.u32 $0x1, s1  }
0x8c: {  	s14 =	sshll.u32 s0, $0xA;
	s2 =	sadd.s32 s3, s2  }
0x8d: {  	s2 =	sadd.s32 s2, s14  }
0x8e: {  	[smem:$0x3FC5] =	sst s2  }
0x8f: {  	_ = 	snop  }
0x90: {  	s2 =	sld [smem:$0x3FD0]  }
0x91: {  	s15 =	sld [smem:$0x3FC9]  }
0x92: {  	s4 =	sld [smem:$0x3FC8]  }
0x93: {  	s6 =	simm.s32 $0xA;
	s7 =	simm.s32 $0x10;
	s5 =	sld [smem:$0x3FC7]  }
0x94: {  	[smem:s7], [sflag:s6] =	dma.local [hbm:s2], $0x1  }
0x95: {  	_ =	swait.eq [sflag:s6], $0x1  }
0x96: {  	[sflag:s6] =	ssyncset.done $0x0  }
0x97: {  	[sflag:s6] =	ssyncadd.s32 $0xFFFFFFFF  }
0x98: {  	s16 =	sld [smem:$0x10];
	(tm) =	ssettm $0x1  }
0x99: {  	s17 =	sld [smem:$0x3FFB];
	_ =	sdelay $0x3  }
0x9a: {  	_ =	strace s17  }
0x9b: {  	s6 =	sld [smem:$0x3FFC];
	_ =	sdelay $0x3  }
0x9c: {  	_ =	strace s6  }
0x9d: {  	s6 =	sld [smem:$0x3FFD];
	_ =	sdelay $0x3  }
0x9e: {  	_ =	strace s6  }
0x9f: {  	_ =	strace $0x8FFFFFFF  }
0xa0: {  	s18 =	sld [smem:$0x3FDB];
	_ =	sdelay $0x1  }
0xa1: {  	s19 =	simm.s32 $_scs_section_size  }
0xa2: {  	s8 =	simm.s32 $_size__tile_overlayer_lowered;
	s9 =	simm.s32 $_tile_overlayer_lowered  }
0xa3: {  	s22 =	simm.s32 $0x1BFF;
	s21 =	sshll.u32 s9, $0x1;
	s6 =	sadd.s32 s19, s18  }
0xa4: {  	s10 =	simm.s32 $0x0;
	s20 =	sshll.u32 s8, $0x1;
	s8 =	sadd.s32 s21, s6  }
0xa5: {  	[timem:s10], [sflag:s22] =	dma.local [hbm:s8], s20  }
0xa6: {  	_ =	swait.ge [sflag:s22], s20  }
0xa7: {  	s7 =	ssub.s32 $0x0, s20;
	[sflag:s22] =	ssyncset.done $0x0  }
0xa8: {  	[sflag:s22] =	ssyncadd.s32 s7;
	_ =	sdelay $0x1  }
0xa9: {  	s23 =	simm.s32 $0x1B8B  }
0xaa: {  	_ =	swait.ge [sflag:s23], $0x1  }
0xab: {  	[sflag:s23] =	ssyncset.done $0x0  }
0xac: {  	s25 =	simm.s32 $0x1B8E;
	s24 =	sld [smem:$0x3FFE];
	[sflag:s23] =	ssyncadd.s32 $0xFFFFFFFF  }
0xad: {  	s26 =	simm.s32 $execute0_lowered;
	[smem:$0x3FD2] =	sst s25  }
0xae: {  	s8 =	sshll.u32 s26, $0x1;
	_ =	strace $0x80000046;
	[dreg:$0x1] =	wrdreg $0xFFFFFFFF  }
0xaf: {  	s28 =	simm.s32 $_size_execute0_lowered;
	s6 =	sadd.s32 s6, s8;
	[dreg:$0x0] =	wrdreg $0x0  }
0xb0: {  	s8 =	sshll.u32 s28, $0x1;
	[dreg:$0x2] =	wrdreg s6  }
0xb1: {  	[dreg:$0x3] =	wrdreg s8  }
0xb2: {  	[dreg:$0x4] =	wrdreg $0xC0  }
0xb3: {  	_ =	task [dreg:s10], $0x5FFFF  }
0xb4: {  	[dreg:$0x1] =	wrdreg $0xFFFFFFFF  }
0xb5: {  	[dreg:$0x0] =	wrdreg $0x60  }
0xb6: {  	[dreg:$0x2] =	wrdreg s15  }
0xb7: {  	[dreg:$0x3] =	wrdreg s4  }
0xb8: {  	[dreg:$0x4] =	wrdreg s5  }
0xb9: {  	[dreg:$0x5] =	wrdreg s16  }
0xba: {  	[dreg:$0x6] =	wrdreg s24  }
0xbb: {  	[dreg:$0x7] =	wrdreg $0x0  }
0xbc: {  	[dreg:$0x8] =	wrdreg $0x9  }
0xbd: {  	_ =	task.clear_ibuf [dreg:s10], $0x9FFFF;
	_ =	strace $0x90000046  }
0xbe: {  	s29 =	simm.s32 $0x9;
	_ =	strace $0x80000048  }
0xbf: {  	_ =	swait.ge [sflag:s29], $0x1  }
0xc0: {  	[sflag:s29] =	ssyncadd.s32 $0xFFFFFFFF  }
0xc1: {  	_ =	strace $0x90000048  }
0xc2: {  	_ =	sfence  }
0xc3: {  	s30 =	sld [smem:$0x0];
	_ =	sdelay $0x2  }
0xc4: {  	s31 =	sshll.u32 s1, $0xD;
	s1 =	sshrl.u32 s1, $0x2  }
0xc5: {  	s3 =	sand.u32 $0x4000, s31;
	s1 =	sadd.s32 s1, s30  }
0xc6: {  	s0 =	sor.u32 s3, s0;
	s1 =	sshll.u32 s1, $0x11  }
0xc7: {  	s0 =	sor.u32 s1, s0  }
0xc8: {  	s0 =	sadd.s32 $0x8F2B, s0  }
0xc9: {  	[sflag:s0] =	ssyncadd.remote.s32 $0x1  }
0xca: {  	_ =	sfence.sel $0xFFFF  }
0xcb: {  	[dreg:$0x0] =	wrdreg $0xFFFFFFFF;
	(pc) =	sbr.abs _section_cstart, $3  }
0xcc: {  	[dreg:$0x1] =	wrdreg $0xFFFFFFFF  }
0xcd: {  	_ =	task.clear_ibuf [dreg:s10], $0x2FFFF;
	_ =	strace $0x9FFFFFFF  }
0xce: {  	(tm) =	ssettm $0x7FFFFFFF  }
0xcf: {  	_ =	shalt  }
tec
execute0_lowered:
.L_overlay_start_1:
0x0: {  	(tag) =	ssettag $0x1  }
0x1: {  	s0 =	rddreg [dreg:$0x0]  }
0x2: {  	s2 =	rddreg [dreg:$0x1]  }
0x3: {  	s3 =	rddreg [dreg:$0x2]  }
0x4: {  	s1 =	rddreg [dreg:$0x3]  }
0x5: {  	s5 =	rddreg [dreg:$0x4]  }
0x6: {  	s4 =	rddreg [dreg:$0x5];
	s14 =	stileid.u32  }
0x7: {  	s7 =	srdreg.scid;
	s11 =	smul.u32 $0x13C00, s14  }
0x8: {  	s6 =	simm.s32 $0x0;
	s8 =	sand.u32 $0x1, s7;
	s13 =	smul.u32 $0x4F000, s14  }
0x9: {  	[smem:$0x7FF] =	sst s6;
	s7 =	sadd.s32 $0xC00, s5;
	s23 =	smul.u32 $0x13C000, s8  }
0xa: {  	s9 =	ssub.s32 $0x2, s8;
	_ =	strace $0x80000047;
	s24 =	sadd.s32 $0x12C00, s11  }
0xb: {  	s12 =	sshll.u32 s8, $0x4;
	s10 =	sshrl.u32 s9, $0x1;
	s25 =	sadd.s32 s23, s24  }
0xc: {  	s12 =	sor.u32 s14, s12;
	s13 =	sshrl.u32 s13, $0x2;
	s26 =	sshrl.u32 s25, $0x3  }
0xd: {  	s22 =	ssub.s32 s9, s10;
	s9 =	smul.u32 $0x2710, s12;
	s12 =	sadd.s32 s1, s26  }
0xe: {  	s5 =	smax.u32 s22, $0x1;
	[dreg:$0x7] =	wrdreg s12;
	s12 =	sadd.s32 s13, s4  }
0xf: {  	[dreg:$0x8] =	wrdreg s5;
	s14 =	sadd.s32 $0x1400, s12  }
0x10: {  	s29 =	simm.s32 $0x16500;
	s15 =	sadd.s32 $0x2800, s12;
	[dreg:$0x9] =	wrdreg s14  }
0x11: {  	s30 =	simm.s32 $0x2;
	s16 =	sadd.s32 $0x3C00, s12;
	[dreg:$0xa] =	wrdreg s15  }
0x12: {  	s31 =	simm.s32 $0x13C00;
	s17 =	sadd.s32 $0x5000, s12;
	[dreg:$0xb] =	wrdreg s16  }
0x13: {  	s8 =	sadd.s32 s24, s4;
	s18 =	sadd.s32 $0x6400, s12;
	[dreg:$0xc] =	wrdreg s17  }
0x14: {  	s10 =	simm.s32 $0x13D00;
	s19 =	sadd.s32 $0x7800, s12;
	[dreg:$0xd] =	wrdreg s18  }
0x15: {  	s22 =	sadd.s32 s11, s23;
	s20 =	sadd.s32 $0x8C00, s12;
	[dreg:$0xe] =	wrdreg s19  }
0x16: {  	s11 =	simm.s32 $0x1;
	s21 =	sadd.s32 $0xA000, s12;
	[dreg:$0xf] =	wrdreg s20  }
0x17: {  	s5 =	sshrl.u32 s22, $0x3;
	s23 =	sadd.s32 $0xB400, s12;
	[dreg:$0x10] =	wrdreg s21  }
0x18: {  	s13 =	simm.s32 $0x15100;
	s24 =	sadd.s32 $0xC800, s12;
	[dreg:$0x11] =	wrdreg s23  }
0x19: {  	s25 =	sadd.s32 $0xDC00, s12;
	s26 =	sadd.s32 $0xF000, s12;
	[dreg:$0x12] =	wrdreg s24  }
0x1a: {  	s28 =	sadd.s32 $0x11800, s12;
	[dreg:$0x13] =	wrdreg s25;
	s24 =	sadd.s32 s5, s1  }
0x1b: {  	[dreg:$0x14] =	wrdreg s26;
	s26 =	sadd.s32 $0x10400, s12;
	s1 =	simm.s32 $0x13C80  }
0x1c: {  	v0 =	vimm.f32 $0.0e+00;
	vm0 =	vcmask $0x3F08;
	vm1 =	vmmov $0x1;
	s5 =	simm.s32 $0x28;
	s14 =	simm.s32 $0x17900;
	s15 =	simm.s32 $0x0  }
.LBB2_1:
0x1d: {  	s16 =	simm.s32 $0x0;
	s17 =	simm.s32 $0x200  }
.LBB2_2:
0x1e: {  	p0 =	sne.s32 s17, $0x4E00;
	[tilespmem:s16+$0x16570] =	vst v0  }
0x1f: {  	[tilespmem:s16+$0x16500] =	vst v0  }
0x20: {  	[tilespmem:s16+$0x16510] =	vst v0  }
.Ltmp0:
0x21: {  	[tilespmem:s16+$0x16520] =	vst v0;
	(pc) =	sbr.rel @p0 .LBB2_2-.Ltmp0, $4  }
0x22: {  	[tilespmem:s16+$0x16530] =	vst v0  }
0x23: {  	[tilespmem:s16+$0x16540] =	vst v0  }
0x24: {  	[tilespmem:s16+$0x16550] =	vst v0  }
0x25: {  	[tilespmem:s16+$0x16560] =	vst v0;
	s16 =	sshra.s32 s17, $0x2;
	s17 =	sadd.s32 $0x200, s17  }
0x26: {  	[tilespmem:s16+$0x16570] =	vst v0  }
0x27: {  	[tilespmem:s16+$0x16500] =	vst v0  }
0x28: {  	[tilespmem:s16+$0x16510] =	vst v0  }
0x29: {  	[tilespmem:s16+$0x16520] =	vst v0  }
0x2a: {  	[tilespmem:s16+$0x16530] =	vst v0  }
0x2b: {  	[tilespmem:s16+$0x16540] =	vst v0  }
0x2c: {  	[tilespmem:s16+$0x16550] =	vst v0  }
0x2d: {  	[tilespmem:s16+$0x16560] =	vst v0  }
0x2e: {  	[spmem:s12] =	stream.linear.scatter [tilespmem:s29], [sflag:$0x2], $0x1400, $0x38;
	[tilespmem:$0x18D80] =	vst v63  }
0x2f: {  	_ =	swait.ge [sflag:s30], $0x1400  }
0x30: {  	[sflag:s30] =	ssyncset.done $0x0  }
0x31: {  	s21 =	rddreg [dreg:$0x9];
	[sflag:s30] =	ssyncadd.s32 $0xFFFFEC00  }
0x32: {  	[spmem:s21] =	stream.linear.scatter [tilespmem:s29], [sflag:$0x2], $0x1400, $0x38;
	[tilespmem:$0x18D80] =	vst v63  }
0x33: {  	_ =	swait.ge [sflag:s30], $0x1400  }
0x34: {  	[sflag:s30] =	ssyncset.done $0x0  }
0x35: {  	s22 =	rddreg [dreg:$0xa];
	[sflag:s30] =	ssyncadd.s32 $0xFFFFEC00  }
0x36: {  	[spmem:s22] =	stream.linear.scatter [tilespmem:s29], [sflag:$0x2], $0x1400, $0x38;
	[tilespmem:$0x18D80] =	vst v63  }
0x37: {  	_ =	swait.ge [sflag:s30], $0x1400  }
0x38: {  	[sflag:s30] =	ssyncset.done $0x0  }
0x39: {  	s23 =	rddreg [dreg:$0xb];
	[sflag:s30] =	ssyncadd.s32 $0xFFFFEC00  }
0x3a: {  	[spmem:s23] =	stream.linear.scatter [tilespmem:s29], [sflag:$0x2], $0x1400, $0x38;
	[tilespmem:$0x18D80] =	vst v63  }
0x3b: {  	_ =	swait.ge [sflag:s30], $0x1400  }
0x3c: {  	[sflag:s30] =	ssyncset.done $0x0  }
0x3d: {  	s25 =	rddreg [dreg:$0xc];
	[sflag:s30] =	ssyncadd.s32 $0xFFFFEC00  }
0x3e: {  	[spmem:s25] =	stream.linear.scatter [tilespmem:s29], [sflag:$0x2], $0x1400, $0x38;
	[tilespmem:$0x18D80] =	vst v63  }
0x3f: {  	_ =	swait.ge [sflag:s30], $0x1400  }
0x40: {  	[sflag:s30] =	ssyncset.done $0x0  }
0x41: {  	s17 =	rddreg [dreg:$0xd];
	[sflag:s30] =	ssyncadd.s32 $0xFFFFEC00  }
0x42: {  	[spmem:s17] =	stream.linear.scatter [tilespmem:s29], [sflag:$0x2], $0x1400, $0x38;
	[tilespmem:$0x18D80] =	vst v63  }
0x43: {  	_ =	swait.ge [sflag:s30], $0x1400  }
0x44: {  	[sflag:s30] =	ssyncset.done $0x0  }
0x45: {  	s18 =	rddreg [dreg:$0xe];
	[sflag:s30] =	ssyncadd.s32 $0xFFFFEC00  }
0x46: {  	[spmem:s18] =	stream.linear.scatter [tilespmem:s29], [sflag:$0x2], $0x1400, $0x38;
	[tilespmem:$0x18D80] =	vst v63  }
0x47: {  	_ =	swait.ge [sflag:s30], $0x1400  }
0x48: {  	[sflag:s30] =	ssyncset.done $0x0  }
0x49: {  	s19 =	rddreg [dreg:$0xf];
	[sflag:s30] =	ssyncadd.s32 $0xFFFFEC00  }
0x4a: {  	[spmem:s19] =	stream.linear.scatter [tilespmem:s29], [sflag:$0x2], $0x1400, $0x38;
	[tilespmem:$0x18D80] =	vst v63  }
0x4b: {  	_ =	swait.ge [sflag:s30], $0x1400  }
0x4c: {  	[sflag:s30] =	ssyncset.done $0x0  }
0x4d: {  	s20 =	rddreg [dreg:$0x10];
	[sflag:s30] =	ssyncadd.s32 $0xFFFFEC00  }
0x4e: {  	[spmem:s20] =	stream.linear.scatter [tilespmem:s29], [sflag:$0x2], $0x1400, $0x38;
	[tilespmem:$0x18D80] =	vst v63  }
0x4f: {  	_ =	swait.ge [sflag:s30], $0x1400  }
0x50: {  	[sflag:s30] =	ssyncset.done $0x0  }
0x51: {  	s21 =	rddreg [dreg:$0x11];
	[sflag:s30] =	ssyncadd.s32 $0xFFFFEC00  }
0x52: {  	[spmem:s21] =	stream.linear.scatter [tilespmem:s29], [sflag:$0x2], $0x1400, $0x38;
	[tilespmem:$0x18D80] =	vst v63  }
0x53: {  	_ =	swait.ge [sflag:s30], $0x1400  }
0x54: {  	[sflag:s30] =	ssyncset.done $0x0  }
0x55: {  	s22 =	rddreg [dreg:$0x12];
	[sflag:s30] =	ssyncadd.s32 $0xFFFFEC00  }
0x56: {  	[spmem:s22] =	stream.linear.scatter [tilespmem:s29], [sflag:$0x2], $0x1400, $0x38;
	[tilespmem:$0x18D80] =	vst v63  }
0x57: {  	_ =	swait.ge [sflag:s30], $0x1400  }
0x58: {  	[sflag:s30] =	ssyncset.done $0x0  }
0x59: {  	s23 =	rddreg [dreg:$0x13];
	[sflag:s30] =	ssyncadd.s32 $0xFFFFEC00  }
0x5a: {  	[spmem:s23] =	stream.linear.scatter [tilespmem:s29], [sflag:$0x2], $0x1400, $0x38;
	[tilespmem:$0x18D80] =	vst v63  }
0x5b: {  	_ =	swait.ge [sflag:s30], $0x1400  }
0x5c: {  	[sflag:s30] =	ssyncset.done $0x0  }
0x5d: {  	s25 =	rddreg [dreg:$0x14];
	[sflag:s30] =	ssyncadd.s32 $0xFFFFEC00  }
0x5e: {  	[spmem:s25] =	stream.linear.scatter [tilespmem:s29], [sflag:$0x2], $0x1400, $0x38;
	[tilespmem:$0x18D80] =	vst v63  }
0x5f: {  	_ =	swait.ge [sflag:s30], $0x1400  }
0x60: {  	[sflag:s30] =	ssyncset.done $0x0  }
0x61: {  	[sflag:s30] =	ssyncadd.s32 $0xFFFFEC00  }
0x62: {  	[spmem:s26] =	stream.linear.scatter [tilespmem:s29], [sflag:$0x2], $0x1400, $0x38;
	[tilespmem:$0x18D80] =	vst v63  }
0x63: {  	_ =	swait.ge [sflag:s30], $0x1400  }
0x64: {  	[sflag:s30] =	ssyncset.done $0x0  }
0x65: {  	[sflag:s30] =	ssyncadd.s32 $0xFFFFEC00  }
0x66: {  	[spmem:s28] =	stream.linear.scatter [tilespmem:s29], [sflag:$0x2], $0x1400, $0x38;
	[tilespmem:$0x18D80] =	vst v63  }
0x67: {  	_ =	swait.ge [sflag:s30], $0x1400  }
0x68: {  	[sflag:s30] =	ssyncset.done $0x0  }
0x69: {  	[sflag:s30] =	ssyncadd.s32 $0xFFFFEC00  }
0x6a: {  	[spmem:s8] =	stream.linear.scatter [tilespmem:s29], [sflag:$0x2], $0x1000, $0x38;
	[tilespmem:$0x18D80] =	vst v63  }
0x6b: {  	_ =	swait.ge [sflag:s30], $0x1000  }
0x6c: {  	[sflag:s30] =	ssyncset.done $0x0  }
0x6d: {  	[sflag:s30] =	ssyncadd.s32 $0xFFFFF000  }
0x6e: {  	s16 =	simm.s32 $0x0;
	s17 =	simm.s32 $0x0;
	[bflag:$0x0] =	sbarrier.arrive $0xFFFF  }
.LBB2_4:
0x6f: {  	s18 =	smul.u32 $0x28, s17;
	_ =	sdelay $0x1  }
0x70: {  	s18 =	sadd.s32 s9, s18  }
0x71: {  	s19 =	sshrl.u32 s18, $0x3  }
0x72: {  	s20 =	sadd.s32 s2, s19  }
0x73: {  	[tilespmem:s31], [sflag:$0x2] =	stream.linear.gather [hbm4b:s20+s16], $0x28, $0x38;
	[tilespmem:$0x18D80] =	vst v63  }
0x74: {  	_ =	swait.ge [sflag:s30], $0x28  }
0x75: {  	[sflag:s30] =	ssyncset.done $0x0  }
0x76: {  	s19 =	sadd.s32 s3, s19;
	[sflag:s30] =	ssyncadd.s32 $0xFFFFFFD8  }
0x77: {  	[tilespmem:s1], [sflag:$0x2] =	stream.linear.gather [hbm4b:s19+s16], $0x28, $0x38;
	[tilespmem:$0x18D80] =	vst v63  }
0x78: {  	_ =	swait.ge [sflag:s30], $0x28  }
0x79: {  	[sflag:s30] =	ssyncset.done $0x0  }
0x7a: {  	[sflag:s30] =	ssyncadd.s32 $0xFFFFFFD8  }
0x7b: {  	[tilespmem:s10], [sflag:$0x1] =	stream.indirect.gather [hbm4b:s0+s5], $0x80, s31, s5, $0xb8;
	[tilespmem:$0x18D80] =	vst v63  }
0x7c: {  	_ =	swait.ge [sflag:s11], $0x1400  }
0x7d: {  	[sflag:s11] =	ssyncset.done $0x0  }
0x7e: {  	[sflag:s11] =	ssyncadd.s32 $0xFFFFEC00  }
0x7f: {  	[tilespmem:s13], [sflag:$0x1] =	stream.indirect.gather [hbm4b:s0+s5], $0x80, s1, s5, $0xb8;
	[tilespmem:$0x18D80] =	vst v63  }
0x80: {  	_ =	swait.ge [sflag:s11], $0x1400  }
0x81: {  	[sflag:s11] =	ssyncset.done $0x0  }
0x82: {  	s19 =	simm.s32 $0x0;
	[sflag:s11] =	ssyncadd.s32 $0xFFFFEC00  }
0x83: {  	v4 =	vld [tilespmem:s19+$0x15160]  }
0x84: {  	v5 =	vld [tilespmem:s19+$0x13D60]  }
0x85: {  	v3 =	vld [tilespmem:s19+$0x15150]  }
0x86: {  	v1 =	vld [tilespmem:s19+$0x15110]  }
0x87: {  	v6 =	vld [tilespmem:s19+$0x15140]  }
0x88: {  	v2 =	vld [tilespmem:s19+$0x13D50]  }
0x89: {  	v9 =	vld [tilespmem:s19+$0x13D40]  }
0x8a: {  	v7 =	vld [tilespmem:s19+$0x15100]  }
0x8b: {  	v10 =	vld [tilespmem:s19+$0x13D10]  }
0x8c: {  	v11 =	vld [tilespmem:s19+$0x13D70]  }
0x8d: {  	v8 =	vld [tilespmem:s19+$0x15170]  }
0x8e: {  	v12 =	vld [tilespmem:s19+$0x13D00];
	v13 =	vmul.f32 v3, v2;
	v9 =	vmul.f32 v6, v9  }
0x8f: {  	v14 =	vld [tilespmem:s19+$0x13D20]  }
0x90: {  	v2 =	vld [tilespmem:s19+$0x15120];
	v15 =	vmul.f32 v4, v5;
	v9 =	vadd.f32 v13, v9  }
0x91: {  	v5 =	vld [tilespmem:s19+$0x15130]  }
0x92: {  	v11 =	vmul.f32 v8, v11;
	v13 =	vld [tilespmem:s19+$0x13D30];
	v9 =	vadd.f32 v15, v9  }
0x93: {  	v10 =	vmul.f32 v1, v10;
	v12 =	vmul.f32 v7, v12  }
0x94: {  	v9 =	vadd.f32 v11, v9  }
0x95: {  	v10 =	vadd.f32 v10, v12;
	v11 =	vmul.f32 v2, v14  }
0x96: {  	[tilespmem:$0x18D20] =	vst v9  }
0x97: {  	v12 =	vmul.f32 v5, v13;
	v10 =	vadd.f32 v11, v10;
	v11 =	vld [tilespmem:$0x18D28];
	_ =	sdelay $0x1  }
0x98: {  	v10 =	vadd.f32 v12, v10;
	_ =	sdelay $0x1  }
0x99: {  	[tilespmem:$0x18D00] =	vst v10  }
0x9a: {  	v12 =	vld [tilespmem:$0x18D08];
	v9 =	vadd.f32 v11, v9;
	_ =	sdelay $0x1  }
0x9b: {  	[tilespmem:$0x18D20] =	vst v9  }
0x9c: {  	v11 =	vld [tilespmem:$0x18D24];
	_ =	sdelay $0x1  }
0x9d: {  	v10 =	vadd.f32 v12, v10;
	_ =	sdelay $0x1  }
0x9e: {  	[tilespmem:$0x18D00] =	vst v10  }
0x9f: {  	v12 =	vld [tilespmem:$0x18D04];
	v9 =	vadd.f32 v11, v9;
	_ =	sdelay $0x1  }
0xa0: {  	[tilespmem:$0x18D20] =	vst v9  }
0xa1: {  	v11 =	vld [tilespmem:$0x18D22];
	_ =	sdelay $0x1  }
0xa2: {  	v10 =	vadd.f32 v12, v10;
	_ =	sdelay $0x1  }
0xa3: {  	[tilespmem:$0x18D00] =	vst v10  }
0xa4: {  	v12 =	vld [tilespmem:$0x18D02];
	v9 =	vadd.f32 v11, v9;
	_ =	sdelay $0x1  }
0xa5: {  	[tilespmem:$0x18D20] =	vst v9  }
0xa6: {  	v11 =	vld [tilespmem:$0x18D21];
	_ =	sdelay $0x1  }
0xa7: {  	v10 =	vadd.f32 v12, v10;
	_ =	sdelay $0x1  }
0xa8: {  	(v2sf) =	vpush v9, $0x0;
	[tilespmem:$0x18D00] =	vst v10  }
0xa9: {  	v9 =	vld [tilespmem:$0x18D01];
	(v2sf) =	vpush v11, $0x0;
	_ =	sdelay $0x3  }
0xaa: {  	(v2sf) =	vpush v10, $0x0  }
0xab: {  	(v2sf) =	vpush v9, $0x0;
	_ =	sdelay $0x8  }
0xac: {  	s25 =	spop (v2sf)  }
0xad: {  	s21 =	spop (v2sf)  }
0xae: {  	s21 =	sadd.f32 s21, s25  }
0xaf: {  	s20 =	simm.s32 $0x80  }
0xb0: {  	v12 =	vld [tilespmem:s20+$0x13D60];
	s22 =	smul.f32 $2.000000030e-01, s21  }
0xb1: {  	v11 =	vld [tilespmem:s20+$0x13D30];
	s23 =	spop (v2sf)  }
0xb2: {  	v10 =	vld [tilespmem:s20+$0x15160];
	s25 =	spop (v2sf);
	s22 =	smax.f32 s21, s22  }
0xb3: {  	v9 =	vld [tilespmem:s20+$0x15130];
	s21 =	simm.s32 $0x400;
	s23 =	sadd.f32 s25, s23;
	v13 =	vmov s22  }
.LBB2_5:
0xb4: {  	p0 =	sne.s32 s21, $0x4E00;
	v14 =	vld [tilespmem:s20+$0x15150];
	v13 =	vmul.f32 $1.442695020e+00, v13;
	s22 =	smov.u32 s21;
	s21 =	sadd.s32 $0x200, s21  }
0xb5: {  	v15 =	vld [tilespmem:s20+$0x15110];
	s25 =	smul.f32 $2.000000030e-01, s23  }
0xb6: {  	v16 =	vld [tilespmem:s20+$0x15140];
	v13 =	vbroadcast v13, $0x0  }
0xb7: {  	v17 =	vld [tilespmem:s20+$0x15100];
	s23 =	smax.f32 s23, s25  }
0xb8: {  	v18 =	vld [tilespmem:s20+$0x13D10];
	v19 =	vmov s23;
	(erf) = vpow2.f32 v13  }
0xb9: {  	v13 =	vld [tilespmem:s20+$0x13D00];
	v19 =	vmul.f32 $1.442695020e+00, v19  }
0xba: {  	v20 =	vld [tilespmem:s20+$0x13D50]  }
0xbb: {  	v21 =	vld [tilespmem:s20+$0x13D40];
	v19 =	vbroadcast v19, $0x0;
	_ =	sdelay $0x1  }
0xbc: {  	v18 =	vmul.f32 v15, v18;
	(erf) = vpow2.f32 v19  }
0xbd: {  	v19 =	vld [tilespmem:s20+$0x13D20]  }
0xbe: {  	v12 =	vmul.f32 v10, v12;
	v22 =	vld [tilespmem:s20+$0x15120];
	v20 =	vmul.f32 v14, v20  }
0xbf: {  	v11 =	vmul.f32 v9, v11  }
0xc0: {  	v13 =	vmul.f32 v17, v13;
	v23 =	vld [tilespmem:s20+$0x13D70];
	v24 =	vpop (erf)  }
0xc1: {  	v21 =	vmul.f32 v16, v21;
	v25 =	vld [tilespmem:s20+$0x15170];
	v26 =	vmul.f32 v24, v6;
	v6 =	vmov v16  }
0xc2: {  	v27 =	vadd.f32 v18, v13;
	v16 =	vmul.f32 v24, v3;
	v18 =	vmul.f32 v24, v4;
	v3 =	vmovc v14  }
0xc3: {  	v8 =	vmul.f32 v24, v8;
	v14 =	vmul.f32 v22, v19;
	v19 =	vadd.f32 v20, v21;
	[tilespmem:s19+$0x16540] =	vst v26  }
0xc4: {  	v4 =	vmov v10;
	[tilespmem:s19+$0x16550] =	vst v16  }
0xc5: {  	v10 =	vadd.f32 v14, v27;
	v12 =	vadd.f32 v12, v19;
	[tilespmem:s19+$0x16570] =	vst v8;
	v8 =	vsel vm0, $0x0, v24;
	v13 =	vpop (erf)  }
0xc6: {  	v14 =	vmul.f32 v25, v23;
	v19 =	vmul.f32 v13, v7;
	[tilespmem:s19+$0x16560] =	vst v18;
	v18 =	vsel vm1, v13, v8  }
0xc7: {  	v16 =	vmul.f32 v13, v2;
	v10 =	vadd.f32 v11, v10;
	v11 =	vmul.f32 v13, v1;
	[tilespmem:s19+$0x17900] =	vst v18  }
0xc8: {  	v7 =	vmovc v17;
	v2 =	vmovc v22;
	v13 =	vmul.f32 v13, v5;
	v1 =	vmov v15;
	[tilespmem:s19+$0x16500] =	vst v19;
	v8 =	vmov v25  }
0xc9: {  	v5 =	vmov v9;
	[tilespmem:s19+$0x16510] =	vst v11  }
0xca: {  	v9 =	vadd.f32 v14, v12;
	[tilespmem:s19+$0x16530] =	vst v13  }
0xcb: {  	[tilespmem:s19+$0x16520] =	vst v16;
	s19 =	smov.u32 s20  }
0xcc: {  	[tilespmem:$0x18D20] =	vst v9  }
0xcd: {  	v11 =	vld [tilespmem:$0x18D28];
	_ =	sdelay $0x3  }
0xce: {  	[tilespmem:$0x18D00] =	vst v10  }
0xcf: {  	v12 =	vld [tilespmem:$0x18D08];
	v9 =	vadd.f32 v11, v9;
	_ =	sdelay $0x1  }
0xd0: {  	[tilespmem:$0x18D20] =	vst v9  }
0xd1: {  	v11 =	vld [tilespmem:$0x18D24];
	_ =	sdelay $0x1  }
0xd2: {  	v10 =	vadd.f32 v12, v10;
	_ =	sdelay $0x1  }
0xd3: {  	[tilespmem:$0x18D00] =	vst v10  }
0xd4: {  	v12 =	vld [tilespmem:$0x18D04];
	v9 =	vadd.f32 v11, v9;
	_ =	sdelay $0x1  }
0xd5: {  	[tilespmem:$0x18D20] =	vst v9  }
0xd6: {  	v11 =	vld [tilespmem:$0x18D22];
	_ =	sdelay $0x1  }
0xd7: {  	v10 =	vadd.f32 v12, v10;
	_ =	sdelay $0x1  }
0xd8: {  	[tilespmem:$0x18D00] =	vst v10  }
0xd9: {  	v12 =	vld [tilespmem:$0x18D02];
	v9 =	vadd.f32 v11, v9;
	_ =	sdelay $0x1  }
0xda: {  	[tilespmem:$0x18D20] =	vst v9  }
0xdb: {  	v11 =	vld [tilespmem:$0x18D21];
	_ =	sdelay $0x1  }
0xdc: {  	v10 =	vadd.f32 v12, v10;
	_ =	sdelay $0x1  }
0xdd: {  	[tilespmem:$0x18D00] =	vst v10;
	(v2sf) =	vpush v9, $0x0  }
0xde: {  	v9 =	vld [tilespmem:$0x18D01];
	(v2sf) =	vpush v11, $0x0;
	_ =	sdelay $0x3  }
0xdf: {  	(v2sf) =	vpush v10, $0x0  }
0xe0: {  	(v2sf) =	vpush v9, $0x0;
	_ =	sdelay $0x8  }
0xe1: {  	s20 =	spop (v2sf)  }
0xe2: {  	s23 =	spop (v2sf)  }
0xe3: {  	s23 =	sadd.f32 s23, s20  }
.Ltmp1:
0xe4: {  	s20 =	sshra.s32 s22, $0x2;
	(pc) =	sbr.rel @p0 .LBB2_5-.Ltmp1, $4  }
0xe5: {  	v11 =	vld [tilespmem:s20+$0x13D30];
	s22 =	smul.f32 $2.000000030e-01, s23  }
0xe6: {  	v9 =	vld [tilespmem:s20+$0x15130];
	s25 =	spop (v2sf)  }
0xe7: {  	v10 =	vld [tilespmem:s20+$0x15160];
	s22 =	smax.f32 s23, s22;
	s23 =	spop (v2sf)  }
0xe8: {  	v12 =	vld [tilespmem:s20+$0x13D60];
	s23 =	sadd.f32 s23, s25;
	v13 =	vmov s22  }
0xe9: {  	v13 =	vmul.f32 $1.442695020e+00, v13  }
0xea: {  	s21 =	smul.f32 $2.000000030e-01, s23  }
0xeb: {  	v13 =	vbroadcast v13, $0x0  }
0xec: {  	s21 =	smax.f32 s23, s21  }
0xed: {  	v15 =	vmov s21;
	(erf) = vpow2.f32 v13  }
0xee: {  	v14 =	vld [tilespmem:s20+$0x15150];
	v15 =	vmul.f32 $1.442695020e+00, v15  }
0xef: {  	v47 =	vld [tilespmem:s20+$0x15110]  }
0xf0: {  	v16 =	vld [tilespmem:s20+$0x15140];
	v15 =	vbroadcast v15, $0x0  }
0xf1: {  	v17 =	vld [tilespmem:s20+$0x15100]  }
0xf2: {  	v18 =	vld [tilespmem:s20+$0x13D10];
	(erf) = vpow2.f32 v15  }
0xf3: {  	v20 =	vld [tilespmem:s20+$0x13D40]  }
0xf4: {  	v48 =	vld [tilespmem:s20+$0x13D50]  }
0xf5: {  	v19 =	vld [tilespmem:s20+$0x13D00]  }
0xf6: {  	v21 =	vld [tilespmem:s20+$0x13D20];
	v23 =	vpop (erf)  }
0xf7: {  	v22 =	vld [tilespmem:s20+$0x15120];
	v6 =	vmul.f32 v23, v6  }
0xf8: {  	v24 =	vld [tilespmem:s20+$0x13D70];
	v50 =	vmul.f32 v16, v20;
	v3 =	vmul.f32 v23, v3  }
0xf9: {  	v25 =	vld [tilespmem:s20+$0x15170];
	v15 =	vmul.f32 v14, v48;
	v49 =	vmul.f32 v23, v8;
	[tilespmem:s19+$0x16540] =	vst v6  }
0xfa: {  	v4 =	vmul.f32 v23, v4;
	[tilespmem:s19+$0x16550] =	vst v3  }
0xfb: {  	v51 =	vsel vm0, $0x0, v23;
	v8 =	vadd.f32 v15, v50;
	[tilespmem:s19+$0x16570] =	vst v49;
	v52 =	vpop (erf)  }
0xfc: {  	v3 =	vmul.f32 v10, v12;
	[tilespmem:s19+$0x16560] =	vst v4;
	v7 =	vmul.f32 v52, v7;
	v53 =	vsel vm1, v52, v51  }
0xfd: {  	v1 =	vmul.f32 v52, v1;
	[tilespmem:s19+$0x17900] =	vst v53  }
0xfe: {  	v55 =	vmul.f32 v25, v24;
	v3 =	vadd.f32 v3, v8;
	v5 =	vmul.f32 v52, v5;
	[tilespmem:s19+$0x16500] =	vst v7  }
0xff: {  	v2 =	vmul.f32 v52, v2;
	[tilespmem:s19+$0x16510] =	vst v1  }
0x100: {  	v1 =	vadd.f32 v55, v3;
	[tilespmem:s19+$0x16530] =	vst v5  }
0x101: {  	v54 =	vmul.f32 v47, v18;
	v56 =	vmul.f32 v17, v19;
	[tilespmem:s19+$0x16520] =	vst v2  }
0x102: {  	[tilespmem:$0x18D20] =	vst v1  }
0x103: {  	v57 =	vmul.f32 v22, v21;
	v3 =	vadd.f32 v54, v56;
	v58 =	vld [tilespmem:$0x18D28];
	_ =	sdelay $0x1  }
0x104: {  	v2 =	vmul.f32 v9, v11;
	v3 =	vadd.f32 v57, v3;
	_ =	sdelay $0x1  }
0x105: {  	v2 =	vadd.f32 v2, v3  }
0x106: {  	v1 =	vadd.f32 v58, v1  }
0x107: {  	[tilespmem:$0x18D00] =	vst v2  }
0x108: {  	v3 =	vld [tilespmem:$0x18D08];
	[tilespmem:$0x18D20] =	vst v1  }
0x109: {  	v59 =	vld [tilespmem:$0x18D24];
	_ =	sdelay $0x3  }
0x10a: {  	v2 =	vadd.f32 v3, v2  }
0x10b: {  	v1 =	vadd.f32 v59, v1  }
0x10c: {  	[tilespmem:$0x18D00] =	vst v2  }
0x10d: {  	v3 =	vld [tilespmem:$0x18D04];
	[tilespmem:$0x18D20] =	vst v1  }
0x10e: {  	v60 =	vld [tilespmem:$0x18D22];
	_ =	sdelay $0x3  }
0x10f: {  	v2 =	vadd.f32 v3, v2  }
0x110: {  	v1 =	vadd.f32 v60, v1  }
0x111: {  	[tilespmem:$0x18D00] =	vst v2  }
0x112: {  	v3 =	vld [tilespmem:$0x18D02];
	[tilespmem:$0x18D20] =	vst v1  }
0x113: {  	v61 =	vld [tilespmem:$0x18D21];
	_ =	sdelay $0x3  }
0x114: {  	(v2sf) =	vpush v1, $0x0;
	v2 =	vadd.f32 v3, v2  }
0x115: {  	(v2sf) =	vpush v61, $0x0  }
0x116: {  	[tilespmem:$0x18D00] =	vst v2  }
0x117: {  	v1 =	vld [tilespmem:$0x18D01];
	_ =	sdelay $0x3  }
0x118: {  	(v2sf) =	vpush v2, $0x0  }
0x119: {  	(v2sf) =	vpush v1, $0x0;
	_ =	sdelay $0x6  }
0x11a: {  	s21 =	spop (v2sf)  }
0x11b: {  	s22 =	spop (v2sf)  }
0x11c: {  	s19 =	sadd.f32 s22, s21;
	_ =	sdelay $0x1  }
0x11d: {  	s21 =	smul.f32 $2.000000030e-01, s19;
	_ =	sdelay $0x1  }
0x11e: {  	s19 =	smax.f32 s19, s21  }
0x11f: {  	s22 =	spop (v2sf);
	v1 =	vmov s19  }
0x120: {  	s23 =	spop (v2sf);
	v1 =	vmul.f32 $1.442695020e+00, v1  }
0x121: {  	s21 =	sadd.f32 s23, s22  }
0x122: {  	v1 =	vbroadcast v1, $0x0  }
0x123: {  	s25 =	smul.f32 $2.000000030e-01, s21  }
0x124: {  	(erf) = vpow2.f32 v1  }
0x125: {  	s19 =	smax.f32 s21, s25  }
0x126: {  	v2 =	vmov s19  }
0x127: {  	v1 =	vmul.f32 $1.442695020e+00, v2;
	_ =	sdelay $0x1  }
0x128: {  	v1 =	vbroadcast v1, $0x0;
	_ =	sdelay $0x1  }
0x129: {  	(erf) = vpow2.f32 v1;
	_ =	sdelay $0x1  }
0x12a: {  	v1 =	vpop (erf)  }
0x12b: {  	v2 =	vmul.f32 v1, v16;
	_ =	sdelay $0x1  }
0x12c: {  	[tilespmem:s20+$0x16540] =	vst v2;
	v2 =	vmul.f32 v1, v25  }
0x12d: {  	v3 =	vmul.f32 v1, v14;
	_ =	sdelay $0x1  }
0x12e: {  	v62 =	vmul.f32 v1, v10;
	[tilespmem:s20+$0x16550] =	vst v3  }
0x12f: {  	v1 =	vsel vm0, $0x0, v1;
	[tilespmem:s20+$0x16570] =	vst v2;
	v2 =	vpop (erf)  }
0x130: {  	[tilespmem:s20+$0x16560] =	vst v62;
	v3 =	vmul.f32 v2, v17;
	v1 =	vsel vm1, v2, v1  }
0x131: {  	v63 =	vmul.f32 v2, v47;
	[tilespmem:s20+$0x17900] =	vst v1  }
0x132: {  	v1 =	vmul.f32 v2, v9;
	[tilespmem:s20+$0x16500] =	vst v3  }
0x133: {  	v2 =	vmul.f32 v2, v22;
	[tilespmem:s20+$0x16510] =	vst v63  }
0x134: {  	[tilespmem:s20+$0x16530] =	vst v1  }
0x135: {  	[tilespmem:s20+$0x16520] =	vst v2  }
0x136: {  	[spmem:s4] =	stream.indirect.scatter.add.f32 [tilespmem:s29], [sflag:$0x2], $0x80, s31, s5, $0xb8;
	[tilespmem:$0x18D80] =	vst v63  }
0x137: {  	s17 =	sadd.s32 $0x1, s17;
	_ =	swait.ge [sflag:s30], $0x1400  }
0x138: {  	s18 =	sshll.u32 s18, $0x4;
	p0 =	sne.s32 s17, $0xFA;
	[sflag:s30] =	ssyncset.done $0x0  }
.Ltmp2:
0x139: {  	s18 =	sadd.s32 s7, s18;
	[sflag:s30] =	ssyncadd.s32 $0xFFFFEC00;
	(pc) =	sbr.rel @p0 .LBB2_4-.Ltmp2, $4  }
0x13a: {  	[hbm4b:s18+s6] =	stream.linear.scatter [tilespmem:s14], [sflag:$0x2], $0x1400, $0x38;
	[tilespmem:$0x18D80] =	vst v63  }
0x13b: {  	_ =	swait.ge [sflag:s30], $0x1400  }
0x13c: {  	[sflag:s30] =	ssyncset.done $0x0  }
0x13d: {  	[sflag:s30] =	ssyncadd.s32 $0xFFFFEC00  }
0x13e: {  	[bflag:$0x0] =	sbarrier.arrive $0xFFFF  }
0x13f: {  	[tilespmem:s29], [sflag:$0x2] =	stream.linear.gather [spmem:s12], $0x1400, $0x38;
	[tilespmem:$0x18D80] =	vst v63  }
0x140: {  	_ =	swait.ge [sflag:s30], $0x1400  }
0x141: {  	[sflag:s30] =	ssyncset.done $0x0  }
0x142: {  	s16 =	sadd.s32 $0x0, s24;
	[sflag:s30] =	ssyncadd.s32 $0xFFFFEC00  }
0x143: {  	[hbm4b:s16+s6] =	stream.linear.scatter [tilespmem:s29], [sflag:$0x2], $0x1400, $0x38;
	[tilespmem:$0x18D80] =	vst v63  }
0x144: {  	_ =	swait.ge [sflag:s30], $0x1400  }
0x145: {  	s17 =	smov.u32 s12;
	s16 =	simm.s32 $0x280;
	[sflag:s30] =	ssyncset.done $0x0  }
.LBB2_8:
0x146: {  	p0 =	sne.s32 s16, $0x2300;
	[sflag:s30] =	ssyncadd.s32 $0xFFFFEC00;
	s17 =	sadd.s32 $0x1400, s17  }
0x147: {  	[tilespmem:s29], [sflag:$0x2] =	stream.linear.gather [spmem:s17], $0x1400, $0x38;
	[tilespmem:$0x18D80] =	vst v63  }
0x148: {  	s18 =	smov.u32 s16;
	s16 =	sadd.s32 $0x280, s16;
	_ =	swait.ge [sflag:s30], $0x1400  }
.Ltmp3:
0x149: {  	[sflag:s30] =	ssyncset.done $0x0;
	(pc) =	sbr.rel @p0 .LBB2_8-.Ltmp3, $4  }
0x14a: {  	s18 =	sadd.s32 s18, s24;
	[sflag:s30] =	ssyncadd.s32 $0xFFFFEC00  }
0x14b: {  	[hbm4b:s18+s6] =	stream.linear.scatter [tilespmem:s29], [sflag:$0x2], $0x1400, $0x38;
	[tilespmem:$0x18D80] =	vst v63  }
0x14c: {  	_ =	swait.ge [sflag:s30], $0x1400  }
0x14d: {  	[sflag:s30] =	ssyncset.done $0x0  }
0x14e: {  	[sflag:s30] =	ssyncadd.s32 $0xFFFFEC00  }
0x14f: {  	[tilespmem:s29], [sflag:$0x2] =	stream.linear.gather [spmem:s8], $0x1000, $0x38;
	[tilespmem:$0x18D80] =	vst v63  }
0x150: {  	_ =	swait.ge [sflag:s30], $0x1000  }
0x151: {  	[sflag:s30] =	ssyncset.done $0x0  }
0x152: {  	s16 =	rddreg [dreg:$0x7];
	[sflag:s30] =	ssyncadd.s32 $0xFFFFF000  }
0x153: {  	[hbm4b:s16+s6] =	stream.linear.scatter [tilespmem:s29], [sflag:$0x2], $0x1000, $0x38;
	[tilespmem:$0x18D80] =	vst v63  }
0x154: {  	_ =	swait.ge [sflag:s30], $0x1000  }
0x155: {  	s15 =	sadd.s32 $0x1, s15;
	s25 =	rddreg [dreg:$0x8]  }
0x156: {  	p0 =	sne.s32 s15, s25  }
.Ltmp4:
0x157: {  	_ = 	snop;
	(pc) =	sbr.rel @p0 .LBB2_1-.Ltmp4, $3  }
0x158: {  	_ =	sdelay $0x1  }
0x159: {  	[sflag:s30] =	ssyncset.done $0x0  }
0x15a: {  	[sflag:s30] =	ssyncadd.s32 $0xFFFFF000  }
0x15b: {  	_ =	sfence.sel $0x180000  }
0x15c: {  	[bflag:$0x0] =	sbarrier.arrive $0xFFFF  }
0x15d: {  	_ =	strace $0x90000047  }
0x15e: {  	s0 =	stileid.u32;
	[bflag:$0x2] =	sbarrier.arrive $0xFFFF  }
0x15f: {  	p0 =	sne.s32 s0, $0x0;
	s0 =	rddreg [dreg:$0x6]  }
0x160: {  	s0 =	sadd.s32 @!p0 $0x100000, s0  }
0x161: {  	[sflag:s0] =	ssyncadd.tile.s32 @!p0 $0x1;
	_ =	shalt  }
.Lfunc_end2:
_tile_overlayer_lowered:
.L_overlay_start_2:
0x162: {  	(tag) =	ssettag $0x2  }
0x163: {  	s0 =	rddreg [dreg:$0x0];
	s2 =	stileid.u32  }
0x164: {  	s1 =	rddreg [dreg:$0x1];
	p0 =	sne.s32 s2, $0x0  }
0x165: {  	s3 =	rddreg [dreg:$0x2];
	[bflag:$0x3] =	sbarrier.arrive $0xFFFF;
	s2 =	simm.s32 @!p0 $0x1C02  }
0x166: {  	[timem:s3], [sflag:s2] =	dma.local @!p0 [hbm:s0], s1  }
0x167: {  	s0 =	simm.s32 @!p0 $0x2  }
0x168: {  	_ =	swait.ge @!p0 [sflag:s0], s1  }
0x169: {  	s1 =	ssub.s32 @!p0 $0x0, s1;
	[sflag:s0] =	ssyncset.done @!p0 $0x0  }
0x16a: {  	[sflag:s0] =	ssyncadd.s32 @!p0 s1  }
0x16b: {  	[bflag:$0x3] =	sbarrier.arrive $0xFFFF  }
0x16c: {  	_ =	shalt  }

// kernel: _edge_pass.7.cloned.1.call-start
scs
__scs_entry_jumppad:
0x0: {  	(pc) =	sbr.rel $0x88, $3  }
0x1: {  	(tag) =	ssettag $0x0;
	lr =	simm.s32 $0x1  }
0x2: {  	[smem:$0x3F9E] =	sst lr;
	_ =	strace $0xD0000000  }
0x3: {  	_ = 	snop  }
0x4: {  	_ = 	snop  }
0x5: {  	_ = 	snop  }
0x6: {  	_ = 	snop  }
0x7: {  	_ = 	snop  }
__scs_overlays_trampoline_lowered:
0x8: {  	[smem:$0x3FAD] =	sst s0  }
0x9: {  	[smem:$0x3FAE] =	sst s1  }
0xa: {  	[smem:$0x3FAF] =	sst s2  }
0xb: {  	[smem:$0x3FB0] =	sst s3  }
0xc: {  	[smem:$0x3FB1] =	sst s4  }
0xd: {  	[smem:$0x3FB2] =	sst s5  }
0xe: {  	[smem:$0x3FB3] =	sst s6  }
0xf: {  	[smem:$0x3FB4] =	sst s7  }
0x10: {  	[smem:$0x3FB5] =	sst s8  }
0x11: {  	[smem:$0x3FB6] =	sst s9;
	s0 =	simm.s32 @!p0 $0x0  }
0x12: {  	s1 =	sld [smem:$0x3F9C];
	s0 =	simm.s32 @p0 $0x1  }
0x13: {  	[smem:$0x3FB7] =	sst s0;
	s0 =	simm.s32 @!p1 $0x0  }
0x14: {  	s2 =	sld [smem:$0x3F9B];
	s0 =	simm.s32 @p1 $0x1  }
0x15: {  	[smem:$0x3FB8] =	sst s0;
	s0 =	simm.s32 @!p2 $0x0  }
0x16: {  	s3 =	sld [smem:$0x3FDB];
	s0 =	simm.s32 @p2 $0x1  }
0x17: {  	s4 =	simm.s32 $0x1BF5;
	[smem:$0x3FBA] =	sst s0  }
0x18: {  	s0 =	sld [smem:$0x3F9D];
	_ =	swait.ge [sflag:s4], $0x0  }
0x19: {  	s7 =	sld [smem:$0x3F9E]  }
0x1a: {  	s8 =	sadd.s32 $0xFFFFE003, lr  }
0x1b: {  	s9 =	sadd.s32 $0xFFFFFEF7, lr;
	s5 =	simm.s32 $0xFFFFFFFF;
	p2 =	slt.u32 s8, $0xFFFFF086  }
0x1c: {  	p1 =	slt.u32 s9, $0xF7A;
	s5 =	simm.s32 @!p2 $0x0  }
0x1d: {  	s5 =	simm.s32 @p1 $0x1;
	p0 =	seq.s32 s7, s2  }
0x1e: {  	s7 =	smul.u32 @!p0 $0xF7A, s2;
	p2 =	seq.s32 @!p0 s5, $0x0  }
0x1f: {  	s9 =	smul.u32 $0xF7A, s1;
	s8 =	simm.s32 @!p0 $0x1BF5;
	p2 =	por !p2, p0  }
0x20: {  	[sflag:s8] =	ssyncset.s32 @!p0 $0xFFFFF086;
	s6 =	sadd.s32 @!p0 s3, s7;
	s7 =	simm.s32 @!p0 $0x108  }
0x21: {  	s3 =	sadd.s32 s3, s9;
	s6 =	sadd.s32 @!p0 $0x88, s6;
	s7 =	simm.s32 @p2 $0x1082  }
0x22: {  	[simem:s7], [sflag:s8] =	dma.local @!p0 [hbm:s6], $0xF7A  }
0x23: {  	s9 =	sor.u32 $0xD0000000, s2;
	s6 =	simm.s32 $0x108;
	_ =	swait.ge @!p0 [sflag:s8], $0x0  }
0x24: {  	s3 =	sadd.s32 $0x88, s3;
	s6 =	simm.s32 @!p1 $0x1082;
	[sflag:s4] =	ssyncset.s32 $0xFFFFF086  }
0x25: {  	[simem:s6], [sflag:s4] =	dma.local [hbm:s3], $0xF7A  }
0x26: {  	[smem:$0x3F9E] =	sst s1;
	(tag) =	ssettag s2;
	_ =	strace s9  }
0x27: {  	s1 =	sld [smem:$0x3FAE]  }
0x28: {  	s2 =	sld [smem:$0x3FAF]  }
0x29: {  	s4 =	sld [smem:$0x3FB1]  }
0x2a: {  	p0 =	seq.s32 s5, $0x0;
	s5 =	sld [smem:$0x3FB2]  }
0x2b: {  	s6 =	sld [smem:$0x3FB3]  }
0x2c: {  	s7 =	sld [smem:$0x3FB4]  }
0x2d: {  	s3 =	simm.s32 $0x108;
	s8 =	sld [smem:$0x3FB5]  }
0x2e: {  	s3 =	simm.s32 @!p0 $0x1082;
	s9 =	sld [smem:$0x3FB6]  }
0x2f: {  	lr =	sadd.s32 s0, s3;
	s0 =	sld [smem:$0x3FAD]  }
0x30: {  	s3 =	sld [smem:$0x3FB0]  }
0x31: {  	[smem:$0x3FB9] =	sst s10  }
0x32: {  	s10 =	sld [smem:$0x3FB7];
	_ =	sdelay $0x3  }
0x33: {  	p0 =	seq.s32 s10, $0x1;
	s10 =	sld [smem:$0x3FB9];
	_ =	sdelay $0x3  }
0x34: {  	[smem:$0x3FB9] =	sst s10  }
0x35: {  	s10 =	sld [smem:$0x3FB8];
	_ =	sdelay $0x3  }
0x36: {  	p1 =	seq.s32 s10, $0x1;
	s10 =	sld [smem:$0x3FB9];
	_ =	sdelay $0x3  }
0x37: {  	[smem:$0x3FB9] =	sst s10  }
0x38: {  	s10 =	sld [smem:$0x3FBA]  }
0x39: {  	_ = 	snop;
	(pc) =	sbr.ind lr, $3  }
0x3a: {  	_ = 	snop  }
0x3b: {  	_ = 	snop  }
0x3c: {  	p2 =	seq.s32 s10, $0x1;
	s10 =	sld [smem:$0x3FB9]  }
0x3d: {  	_ =	shalt  }
0x3e: {  	_ =	shalt  }
0x3f: {  	_ =	shalt  }
0x40: {  	_ =	shalt  }
0x41: {  	_ =	shalt  }
0x42: {  	_ =	shalt  }
0x43: {  	_ =	shalt  }
0x44: {  	_ =	shalt  }
0x45: {  	_ =	shalt  }
0x46: {  	_ =	shalt  }
0x47: {  	_ =	shalt  }
0x48: {  	_ =	shalt  }
0x49: {  	_ =	shalt  }
0x4a: {  	_ =	shalt  }
0x4b: {  	_ =	shalt  }
0x4c: {  	_ =	shalt  }
0x4d: {  	_ =	shalt  }
0x4e: {  	_ =	shalt  }
0x4f: {  	_ =	shalt  }
0x50: {  	_ =	shalt  }
0x51: {  	_ =	shalt  }
0x52: {  	_ =	shalt  }
0x53: {  	_ =	shalt  }
0x54: {  	_ =	shalt  }
0x55: {  	_ =	shalt  }
0x56: {  	_ =	shalt  }
0x57: {  	_ =	shalt  }
0x58: {  	_ =	shalt  }
0x59: {  	_ =	shalt  }
0x5a: {  	_ =	shalt  }
0x5b: {  	_ =	shalt  }
0x5c: {  	_ =	shalt  }
0x5d: {  	_ =	shalt  }
0x5e: {  	_ =	shalt  }
0x5f: {  	_ =	shalt  }
0x60: {  	_ =	shalt  }
0x61: {  	_ =	shalt  }
0x62: {  	_ =	shalt  }
0x63: {  	_ =	shalt  }
0x64: {  	_ =	shalt  }
0x65: {  	_ =	shalt  }
0x66: {  	_ =	shalt  }
0x67: {  	_ =	shalt  }
0x68: {  	_ =	shalt  }
0x69: {  	_ =	shalt  }
0x6a: {  	_ =	shalt  }
0x6b: {  	_ =	shalt  }
0x6c: {  	_ =	shalt  }
0x6d: {  	_ =	shalt  }
0x6e: {  	_ =	shalt  }
0x6f: {  	_ =	shalt  }
0x70: {  	_ =	shalt  }
0x71: {  	_ =	shalt  }
0x72: {  	_ =	shalt  }
0x73: {  	_ =	shalt  }
0x74: {  	_ =	shalt  }
0x75: {  	_ =	shalt  }
0x76: {  	_ =	shalt  }
0x77: {  	_ =	shalt  }
0x78: {  	_ =	shalt  }
0x79: {  	_ =	shalt  }
0x7a: {  	_ =	shalt  }
0x7b: {  	_ =	shalt  }
0x7c: {  	_ =	shalt  }
0x7d: {  	_ =	shalt  }
0x7e: {  	_ =	shalt  }
0x7f: {  	_ =	shalt  }
0x80: {  	_ =	shalt  }
0x81: {  	_ =	shalt  }
0x82: {  	_ =	shalt  }
0x83: {  	_ =	shalt  }
0x84: {  	_ =	shalt  }
0x85: {  	_ =	shalt  }
0x86: {  	_ =	shalt  }
0x87: {  	_ =	shalt  }
.Lfunc_end0:
.L_simem_size_0:
called_computation.1_lowered:
.L_overlay_start_0:
0x88: {  	s2 =	sld [smem:$0x3FD9]  }
0x89: {  	s3 =	sld [smem:$0x3FFE];
	_ =	sdelay $0x1  }
0x8a: {  	s1 =	srdreg.scid  }
0x8b: {  	s0 =	sand.u32 $0x1, s1  }
0x8c: {  	s17 =	sshll.u32 s0, $0xA;
	s2 =	sadd.s32 s3, s2  }
0x8d: {  	s2 =	sadd.s32 s2, s17  }
0x8e: {  	[smem:$0x3FC5] =	sst s2  }
0x8f: {  	_ = 	snop  }
0x90: {  	s2 =	sld [smem:$0x3FC8];
	(tm) =	ssettm $0x1  }
0x91: {  	s18 =	sld [smem:$0x3FFB];
	_ =	sdelay $0x3  }
0x92: {  	_ =	strace s18  }
0x93: {  	s3 =	sld [smem:$0x3FFC];
	_ =	sdelay $0x3  }
0x94: {  	_ =	strace s3  }
0x95: {  	s3 =	sld [smem:$0x3FFD];
	_ =	sdelay $0x3  }
0x96: {  	_ =	strace s3  }
0x97: {  	_ =	strace $0x8FFFFFFF  }
0x98: {  	s19 =	sld [smem:$0x3FDB];
	_ =	sdelay $0x1  }
0x99: {  	s4 =	simm.s32 $_scs_section_size  }
0x9a: {  	s5 =	simm.s32 $_size__tile_overlayer_lowered;
	s6 =	simm.s32 $_tile_overlayer_lowered  }
0x9b: {  	s22 =	simm.s32 $0x1BFF;
	s21 =	sshll.u32 s6, $0x1;
	s3 =	sadd.s32 s4, s19  }
0x9c: {  	s7 =	simm.s32 $0x0;
	s20 =	sshll.u32 s5, $0x1;
	s5 =	sadd.s32 s21, s3  }
0x9d: {  	[timem:s7], [sflag:s22] =	dma.local [hbm:s5], s20  }
0x9e: {  	_ =	swait.ge [sflag:s22], s20  }
0x9f: {  	s4 =	ssub.s32 $0x0, s20;
	[sflag:s22] =	ssyncset.done $0x0  }
0xa0: {  	[sflag:s22] =	ssyncadd.s32 s4;
	_ =	sdelay $0x1  }
0xa1: {  	s23 =	simm.s32 $0x1B8B  }
0xa2: {  	_ =	swait.ge [sflag:s23], $0x1  }
0xa3: {  	[sflag:s23] =	ssyncset.done $0x0  }
0xa4: {  	s25 =	simm.s32 $0x1B8E;
	s24 =	sld [smem:$0x3FFE];
	[sflag:s23] =	ssyncadd.s32 $0xFFFFFFFF  }
0xa5: {  	s26 =	simm.s32 $execute0_lowered;
	[smem:$0x3FD2] =	sst s25  }
0xa6: {  	s5 =	sshll.u32 s26, $0x1;
	_ =	strace $0x80000049;
	[dreg:$0x1] =	wrdreg $0xFFFFFFFF  }
0xa7: {  	s28 =	simm.s32 $_size_execute0_lowered;
	s3 =	sadd.s32 s3, s5;
	[dreg:$0x0] =	wrdreg $0x0  }
0xa8: {  	s5 =	sshll.u32 s28, $0x1;
	[dreg:$0x2] =	wrdreg s3  }
0xa9: {  	[dreg:$0x3] =	wrdreg s5  }
0xaa: {  	[dreg:$0x4] =	wrdreg $0xC0  }
0xab: {  	_ =	task [dreg:s7], $0x5FFFF  }
0xac: {  	[dreg:$0x1] =	wrdreg $0xFFFFFFFF  }
0xad: {  	[dreg:$0x0] =	wrdreg $0x60  }
0xae: {  	[dreg:$0x2] =	wrdreg s2  }
0xaf: {  	[dreg:$0x3] =	wrdreg s24  }
0xb0: {  	[dreg:$0x4] =	wrdreg $0x0  }
0xb1: {  	[dreg:$0x5] =	wrdreg $0x9  }
0xb2: {  	_ =	task.clear_ibuf [dreg:s7], $0x6FFFF;
	_ =	strace $0x90000049  }
0xb3: {  	s29 =	simm.s32 $0x9;
	_ =	strace $0x8000004B  }
0xb4: {  	_ =	swait.ge [sflag:s29], $0x1  }
0xb5: {  	[sflag:s29] =	ssyncadd.s32 $0xFFFFFFFF  }
0xb6: {  	_ =	strace $0x9000004B  }
0xb7: {  	_ =	sfence  }
0xb8: {  	s30 =	sld [smem:$0x0];
	_ =	sdelay $0x2  }
0xb9: {  	s31 =	sshll.u32 s1, $0xD;
	s1 =	sshrl.u32 s1, $0x2  }
0xba: {  	s3 =	sand.u32 $0x4000, s31;
	s1 =	sadd.s32 s1, s30  }
0xbb: {  	s0 =	sor.u32 s3, s0;
	s1 =	sshll.u32 s1, $0x11  }
0xbc: {  	s0 =	sor.u32 s1, s0  }
0xbd: {  	s0 =	sadd.s32 $0x8F2B, s0  }
0xbe: {  	[sflag:s0] =	ssyncadd.remote.s32 $0x1  }
0xbf: {  	_ =	sfence.sel $0xFFFF  }
0xc0: {  	[dreg:$0x0] =	wrdreg $0xFFFFFFFF;
	(pc) =	sbr.abs _section_cstart, $3  }
0xc1: {  	[dreg:$0x1] =	wrdreg $0xFFFFFFFF  }
0xc2: {  	_ =	task.clear_ibuf [dreg:s7], $0x2FFFF;
	_ =	strace $0x9FFFFFFF  }
0xc3: {  	(tm) =	ssettm $0x7FFFFFFF  }
tec
execute0_lowered:
.L_overlay_start_1:
0x0: {  	(tag) =	ssettag $0x1  }
0x1: {  	s0 =	rddreg [dreg:$0x0];
	s17 =	stileid.u32  }
0x2: {  	s3 =	rddreg [dreg:$0x1];
	s22 =	smul.u32 $0x13C00, s17  }
0x3: {  	s1 =	rddreg [dreg:$0x2];
	s2 =	simm.s32 $0x0;
	s7 =	smul.u32 $0x4F000, s17  }
0x4: {  	s4 =	srdreg.scid;
	s28 =	simm.s32 $0x2780;
	s20 =	smul.u32 $0x2710, s17  }
0x5: {  	s29 =	simm.s32 $0x28;
	s13 =	sand.u32 $0x1, s4;
	s21 =	smul.u32 $0x27100, s17  }
0x6: {  	s30 =	simm.s32 $0x0;
	[smem:$0x7FF] =	sst s2;
	s4 =	smul.u32 $0x271000, s13  }
0x7: {  	_ =	strace $0x8000004A;
	s24 =	ssub.s32 $0x2, s13;
	s23 =	smul.u32 $0x13C000, s13  }
0x8: {  	s18 =	smul.u32 $0x27100, s13;
	s5 =	sshrl.u32 s24, $0x1;
	s6 =	sadd.s32 $0x12C00, s22  }
0x9: {  	s7 =	sshrl.u32 s7, $0x2;
	s19 =	sadd.s32 s4, s3;
	s3 =	sadd.s32 $0x4E2C00, s3  }
0xa: {  	s8 =	ssub.s32 s24, s5;
	s25 =	sadd.s32 s23, s6;
	s4 =	sadd.s32 s6, s1  }
0xb: {  	s7 =	sadd.s32 s7, s1;
	s20 =	sadd.s32 s20, s18;
	s31 =	sadd.s32 s22, s23  }
0xc: {  	s5 =	sshrl.u32 s25, $0x3;
	s26 =	smax.u32 s8, $0x1;
	s8 =	sadd.s32 $0x1400, s7  }
0xd: {  	s9 =	sadd.s32 $0x2800, s7;
	s10 =	sadd.s32 $0x3C00, s7;
	s11 =	sadd.s32 $0x5000, s7  }
0xe: {  	s12 =	sadd.s32 $0x6400, s7;
	s13 =	sadd.s32 $0x7800, s7;
	s14 =	sadd.s32 $0x8C00, s7  }
0xf: {  	s15 =	sadd.s32 $0xA000, s7;
	s16 =	sadd.s32 $0xB400, s7;
	s17 =	sadd.s32 $0xC800, s7  }
0x10: {  	s18 =	sadd.s32 $0xDC00, s7;
	s24 =	sadd.s32 s21, s19;
	s19 =	sadd.s32 $0xF000, s7  }
0x11: {  	s20 =	sshrl.u32 s20, $0x3;
	s21 =	sadd.s32 $0x10400, s7;
	s22 =	sadd.s32 $0x11800, s7  }
0x12: {  	s25 =	simm.s32 $0x2800;
	s5 =	sadd.s32 s3, s5;
	[dreg:$0x5] =	wrdreg s26  }
0x13: {  	s20 =	sadd.s32 s20, s0;
	s23 =	sadd.s32 $0xC00, s24;
	s0 =	sshrl.u32 s31, $0x3  }
0x14: {  	v0 =	vimm.f32 $0.0e+00;
	s26 =	simm.s32 $0x1;
	[dreg:$0x4] =	wrdreg s5;
	s24 =	sadd.s32 s0, s3  }
.LBB2_1:
0x15: {  	[tilespmem:$0x2800] =	vst v0  }
0x16: {  	[tilespmem:$0x2880] =	vst v0  }
0x17: {  	[tilespmem:$0x2900] =	vst v0  }
0x18: {  	[tilespmem:$0x2980] =	vst v0  }
0x19: {  	[tilespmem:$0x2A00] =	vst v0  }
0x1a: {  	[tilespmem:$0x2A80] =	vst v0  }
0x1b: {  	[tilespmem:$0x2B00] =	vst v0  }
0x1c: {  	[tilespmem:$0x2B80] =	vst v0  }
0x1d: {  	[tilespmem:$0x2C00] =	vst v0  }
0x1e: {  	[tilespmem:$0x2C80] =	vst v0  }
0x1f: {  	[tilespmem:$0x2D00] =	vst v0  }
0x20: {  	[tilespmem:$0x2D80] =	vst v0  }
0x21: {  	[tilespmem:$0x2E00] =	vst v0  }
0x22: {  	[tilespmem:$0x2E80] =	vst v0  }
0x23: {  	[tilespmem:$0x2F00] =	vst v0  }
0x24: {  	[tilespmem:$0x2F80] =	vst v0  }
0x25: {  	[tilespmem:$0x3000] =	vst v0  }
0x26: {  	[tilespmem:$0x3080] =	vst v0  }
0x27: {  	[tilespmem:$0x3100] =	vst v0  }
0x28: {  	[tilespmem:$0x3180] =	vst v0  }
0x29: {  	[tilespmem:$0x3200] =	vst v0  }
0x2a: {  	[tilespmem:$0x3280] =	vst v0  }
0x2b: {  	[tilespmem:$0x3300] =	vst v0  }
0x2c: {  	[tilespmem:$0x3380] =	vst v0  }
0x2d: {  	[tilespmem:$0x3400] =	vst v0  }
0x2e: {  	[tilespmem:$0x3480] =	vst v0  }
0x2f: {  	[tilespmem:$0x3500] =	vst v0  }
0x30: {  	[tilespmem:$0x3580] =	vst v0  }
0x31: {  	[tilespmem:$0x3600] =	vst v0  }
0x32: {  	[tilespmem:$0x3680] =	vst v0  }
0x33: {  	[tilespmem:$0x3700] =	vst v0  }
0x34: {  	[tilespmem:$0x3780] =	vst v0  }
0x35: {  	[tilespmem:$0x3800] =	vst v0  }
0x36: {  	[tilespmem:$0x3880] =	vst v0  }
0x37: {  	[tilespmem:$0x3900] =	vst v0  }
0x38: {  	[tilespmem:$0x3980] =	vst v0  }
0x39: {  	[tilespmem:$0x3A00] =	vst v0  }
0x3a: {  	[tilespmem:$0x3A80] =	vst v0  }
0x3b: {  	[tilespmem:$0x3B00] =	vst v0  }
0x3c: {  	[tilespmem:$0x3B80] =	vst v0  }
0x3d: {  	[spmem:s7] =	stream.linear.scatter [tilespmem:s25], [sflag:$0x1], $0x1400, $0x38;
	[tilespmem:$0x3C00] =	vst v63  }
0x3e: {  	_ =	swait.ge [sflag:s26], $0x1400  }
0x3f: {  	[sflag:s26] =	ssyncset.done $0x0  }
0x40: {  	[sflag:s26] =	ssyncadd.s32 $0xFFFFEC00  }
0x41: {  	[spmem:s8] =	stream.linear.scatter [tilespmem:s25], [sflag:$0x1], $0x1400, $0x38;
	[tilespmem:$0x3C00] =	vst v63  }
0x42: {  	_ =	swait.ge [sflag:s26], $0x1400  }
0x43: {  	[sflag:s26] =	ssyncset.done $0x0  }
0x44: {  	[sflag:s26] =	ssyncadd.s32 $0xFFFFEC00  }
0x45: {  	[spmem:s9] =	stream.linear.scatter [tilespmem:s25], [sflag:$0x1], $0x1400, $0x38;
	[tilespmem:$0x3C00] =	vst v63  }
0x46: {  	_ =	swait.ge [sflag:s26], $0x1400  }
0x47: {  	[sflag:s26] =	ssyncset.done $0x0  }
0x48: {  	[sflag:s26] =	ssyncadd.s32 $0xFFFFEC00  }
0x49: {  	[spmem:s10] =	stream.linear.scatter [tilespmem:s25], [sflag:$0x1], $0x1400, $0x38;
	[tilespmem:$0x3C00] =	vst v63  }
0x4a: {  	_ =	swait.ge [sflag:s26], $0x1400  }
0x4b: {  	[sflag:s26] =	ssyncset.done $0x0  }
0x4c: {  	[sflag:s26] =	ssyncadd.s32 $0xFFFFEC00  }
0x4d: {  	[spmem:s11] =	stream.linear.scatter [tilespmem:s25], [sflag:$0x1], $0x1400, $0x38;
	[tilespmem:$0x3C00] =	vst v63  }
0x4e: {  	_ =	swait.ge [sflag:s26], $0x1400  }
0x4f: {  	[sflag:s26] =	ssyncset.done $0x0  }
0x50: {  	[sflag:s26] =	ssyncadd.s32 $0xFFFFEC00  }
0x51: {  	[spmem:s12] =	stream.linear.scatter [tilespmem:s25], [sflag:$0x1], $0x1400, $0x38;
	[tilespmem:$0x3C00] =	vst v63  }
0x52: {  	_ =	swait.ge [sflag:s26], $0x1400  }
0x53: {  	[sflag:s26] =	ssyncset.done $0x0  }
0x54: {  	[sflag:s26] =	ssyncadd.s32 $0xFFFFEC00  }
0x55: {  	[spmem:s13] =	stream.linear.scatter [tilespmem:s25], [sflag:$0x1], $0x1400, $0x38;
	[tilespmem:$0x3C00] =	vst v63  }
0x56: {  	_ =	swait.ge [sflag:s26], $0x1400  }
0x57: {  	[sflag:s26] =	ssyncset.done $0x0  }
0x58: {  	[sflag:s26] =	ssyncadd.s32 $0xFFFFEC00  }
0x59: {  	[spmem:s14] =	stream.linear.scatter [tilespmem:s25], [sflag:$0x1], $0x1400, $0x38;
	[tilespmem:$0x3C00] =	vst v63  }
0x5a: {  	_ =	swait.ge [sflag:s26], $0x1400  }
0x5b: {  	[sflag:s26] =	ssyncset.done $0x0  }
0x5c: {  	[sflag:s26] =	ssyncadd.s32 $0xFFFFEC00  }
0x5d: {  	[spmem:s15] =	stream.linear.scatter [tilespmem:s25], [sflag:$0x1], $0x1400, $0x38;
	[tilespmem:$0x3C00] =	vst v63  }
0x5e: {  	_ =	swait.ge [sflag:s26], $0x1400  }
0x5f: {  	[sflag:s26] =	ssyncset.done $0x0  }
0x60: {  	[sflag:s26] =	ssyncadd.s32 $0xFFFFEC00  }
0x61: {  	[spmem:s16] =	stream.linear.scatter [tilespmem:s25], [sflag:$0x1], $0x1400, $0x38;
	[tilespmem:$0x3C00] =	vst v63  }
0x62: {  	_ =	swait.ge [sflag:s26], $0x1400  }
0x63: {  	[sflag:s26] =	ssyncset.done $0x0  }
0x64: {  	[sflag:s26] =	ssyncadd.s32 $0xFFFFEC00  }
0x65: {  	[spmem:s17] =	stream.linear.scatter [tilespmem:s25], [sflag:$0x1], $0x1400, $0x38;
	[tilespmem:$0x3C00] =	vst v63  }
0x66: {  	_ =	swait.ge [sflag:s26], $0x1400  }
0x67: {  	[sflag:s26] =	ssyncset.done $0x0  }
0x68: {  	[sflag:s26] =	ssyncadd.s32 $0xFFFFEC00  }
0x69: {  	[spmem:s18] =	stream.linear.scatter [tilespmem:s25], [sflag:$0x1], $0x1400, $0x38;
	[tilespmem:$0x3C00] =	vst v63  }
0x6a: {  	_ =	swait.ge [sflag:s26], $0x1400  }
0x6b: {  	[sflag:s26] =	ssyncset.done $0x0  }
0x6c: {  	[sflag:s26] =	ssyncadd.s32 $0xFFFFEC00  }
0x6d: {  	[spmem:s19] =	stream.linear.scatter [tilespmem:s25], [sflag:$0x1], $0x1400, $0x38;
	[tilespmem:$0x3C00] =	vst v63  }
0x6e: {  	_ =	swait.ge [sflag:s26], $0x1400  }
0x6f: {  	[sflag:s26] =	ssyncset.done $0x0  }
0x70: {  	[sflag:s26] =	ssyncadd.s32 $0xFFFFEC00  }
0x71: {  	[spmem:s21] =	stream.linear.scatter [tilespmem:s25], [sflag:$0x1], $0x1400, $0x38;
	[tilespmem:$0x3C00] =	vst v63  }
0x72: {  	_ =	swait.ge [sflag:s26], $0x1400  }
0x73: {  	[sflag:s26] =	ssyncset.done $0x0  }
0x74: {  	[sflag:s26] =	ssyncadd.s32 $0xFFFFEC00  }
0x75: {  	[spmem:s22] =	stream.linear.scatter [tilespmem:s25], [sflag:$0x1], $0x1400, $0x38;
	[tilespmem:$0x3C00] =	vst v63  }
0x76: {  	_ =	swait.ge [sflag:s26], $0x1400  }
0x77: {  	[sflag:s26] =	ssyncset.done $0x0  }
0x78: {  	[sflag:s26] =	ssyncadd.s32 $0xFFFFEC00  }
0x79: {  	[spmem:s4] =	stream.linear.scatter [tilespmem:s25], [sflag:$0x1], $0x1000, $0x38;
	[tilespmem:$0x3C00] =	vst v63  }
0x7a: {  	_ =	swait.ge [sflag:s26], $0x1000  }
0x7b: {  	[sflag:s26] =	ssyncset.done $0x0  }
0x7c: {  	[sflag:s26] =	ssyncadd.s32 $0xFFFFF000  }
0x7d: {  	s0 =	sadd.s32 $0x0, s20;
	[bflag:$0x0] =	sbarrier.arrive $0xFFFF  }
0x7e: {  	[tilespmem:s28], [sflag:$0x1] =	stream.linear.gather [hbm4b:s0+s2], $0x28, $0x38;
	[tilespmem:$0x3C00] =	vst v63  }
0x7f: {  	_ =	swait.ge [sflag:s26], $0x28  }
0x80: {  	[sflag:s26] =	ssyncset.done $0x0  }
0x81: {  	[sflag:s26] =	ssyncadd.s32 $0xFFFFFFD8  }
0x82: {  	[tilespmem:s25], [sflag:$0x1] =	stream.linear.gather [hbm4b:s23+s2], $0x1400, $0x38;
	[tilespmem:$0x3C00] =	vst v63  }
0x83: {  	_ =	swait.ge [sflag:s26], $0x1400  }
0x84: {  	[sflag:s26] =	ssyncset.done $0x0  }
0x85: {  	[sflag:s26] =	ssyncadd.s32 $0xFFFFEC00  }
0x86: {  	[spmem:s1] =	stream.indirect.scatter.add.f32 [tilespmem:s25], [sflag:$0x1], $0x10, s28, s29, $0xb8;
	[tilespmem:$0x3C00] =	vst v63  }
0x87: {  	s3 =	simm.s32 $0xA;
	_ =	swait.ge [sflag:s26], $0x280  }
0x88: {  	s31 =	sadd.s32 $0x280, s23;
	s0 =	simm.s32 $0x5;
	[sflag:s26] =	ssyncset.done $0x0  }
.LBB2_2:
0x89: {  	s5 =	sadd.s32 s0, s20  }
0x8a: {  	[sflag:s26] =	ssyncadd.s32 $0xFFFFFD80;
	s0 =	smov.u32 s3;
	s6 =	sadd.s32 $0x5, s3  }
0x8b: {  	[tilespmem:s28], [sflag:$0x1] =	stream.linear.gather [hbm4b:s5+s2], $0x28, $0x38;
	[tilespmem:$0x3C00] =	vst v63  }
0x8c: {  	p0 =	sne.s32 s3, $0x4DD;
	_ =	swait.ge [sflag:s26], $0x28  }
0x8d: {  	[sflag:s26] =	ssyncset.done $0x0  }
0x8e: {  	[sflag:s26] =	ssyncadd.s32 $0xFFFFFFD8  }
0x8f: {  	[tilespmem:s25], [sflag:$0x1] =	stream.linear.gather [hbm4b:s31+s2], $0x1400, $0x38;
	[tilespmem:$0x3C00] =	vst v63  }
0x90: {  	_ =	swait.ge [sflag:s26], $0x1400  }
.Ltmp0:
0x91: {  	[sflag:s26] =	ssyncset.done $0x0;
	(pc) =	sbr.rel @p0 .LBB2_2-.Ltmp0, $4  }
0x92: {  	[sflag:s26] =	ssyncadd.s32 $0xFFFFEC00  }
0x93: {  	[spmem:s1] =	stream.indirect.scatter.add.f32 [tilespmem:s25], [sflag:$0x1], $0x10, s28, s29, $0xb8;
	[tilespmem:$0x3C00] =	vst v63  }
0x94: {  	_ =	swait.ge [sflag:s26], $0x280  }
0x95: {  	s3 =	smov.u32 s6;
	s31 =	sadd.s32 $0x280, s31;
	[sflag:s26] =	ssyncset.done $0x0  }
0x96: {  	s0 =	sadd.s32 s0, s20;
	[sflag:s26] =	ssyncadd.s32 $0xFFFFFD80  }
0x97: {  	[tilespmem:s28], [sflag:$0x1] =	stream.linear.gather [hbm4b:s0+s2], $0x28, $0x38;
	[tilespmem:$0x3C00] =	vst v63  }
0x98: {  	_ =	swait.ge [sflag:s26], $0x28  }
0x99: {  	[sflag:s26] =	ssyncset.done $0x0  }
0x9a: {  	[sflag:s26] =	ssyncadd.s32 $0xFFFFFFD8  }
0x9b: {  	[tilespmem:s25], [sflag:$0x1] =	stream.linear.gather [hbm4b:s31+s2], $0x1400, $0x38;
	[tilespmem:$0x3C00] =	vst v63  }
0x9c: {  	_ =	swait.ge [sflag:s26], $0x1400  }
0x9d: {  	[sflag:s26] =	ssyncset.done $0x0  }
0x9e: {  	[sflag:s26] =	ssyncadd.s32 $0xFFFFEC00  }
0x9f: {  	[spmem:s1] =	stream.indirect.scatter.add.f32 [tilespmem:s25], [sflag:$0x1], $0x10, s28, s29, $0xb8;
	[tilespmem:$0x3C00] =	vst v63  }
0xa0: {  	_ =	swait.ge [sflag:s26], $0x280  }
0xa1: {  	[sflag:s26] =	ssyncset.done $0x0  }
0xa2: {  	[sflag:s26] =	ssyncadd.s32 $0xFFFFFD80  }
0xa3: {  	[bflag:$0x0] =	sbarrier.arrive $0xFFFF  }
0xa4: {  	[tilespmem:s25], [sflag:$0x1] =	stream.linear.gather [spmem:s7], $0x1400, $0x38;
	[tilespmem:$0x3C00] =	vst v63  }
0xa5: {  	_ =	swait.ge [sflag:s26], $0x1400  }
0xa6: {  	[sflag:s26] =	ssyncset.done $0x0  }
0xa7: {  	s6 =	sadd.s32 $0x0, s24;
	[sflag:s26] =	ssyncadd.s32 $0xFFFFEC00  }
0xa8: {  	[hbm4b:s6+s2] =	stream.linear.scatter [tilespmem:s25], [sflag:$0x1], $0x1400, $0x38;
	[tilespmem:$0x3C00] =	vst v63  }
0xa9: {  	_ =	swait.ge [sflag:s26], $0x1400  }
0xaa: {  	s0 =	simm.s32 $0x280;
	s31 =	smov.u32 s7;
	[sflag:s26] =	ssyncset.done $0x0  }
.LBB2_4:
0xab: {  	p0 =	sne.s32 s0, $0x2300;
	[sflag:s26] =	ssyncadd.s32 $0xFFFFEC00;
	s31 =	sadd.s32 $0x1400, s31  }
0xac: {  	[tilespmem:s25], [sflag:$0x1] =	stream.linear.gather [spmem:s31], $0x1400, $0x38;
	[tilespmem:$0x3C00] =	vst v63  }
0xad: {  	s3 =	smov.u32 s0;
	s0 =	sadd.s32 $0x280, s0;
	_ =	swait.ge [sflag:s26], $0x1400  }
.Ltmp1:
0xae: {  	[sflag:s26] =	ssyncset.done $0x0;
	(pc) =	sbr.rel @p0 .LBB2_4-.Ltmp1, $4  }
0xaf: {  	s3 =	sadd.s32 s3, s24;
	[sflag:s26] =	ssyncadd.s32 $0xFFFFEC00  }
0xb0: {  	[hbm4b:s3+s2] =	stream.linear.scatter [tilespmem:s25], [sflag:$0x1], $0x1400, $0x38;
	[tilespmem:$0x3C00] =	vst v63  }
0xb1: {  	_ =	swait.ge [sflag:s26], $0x1400  }
0xb2: {  	[sflag:s26] =	ssyncset.done $0x0  }
0xb3: {  	[sflag:s26] =	ssyncadd.s32 $0xFFFFEC00  }
0xb4: {  	[tilespmem:s25], [sflag:$0x1] =	stream.linear.gather [spmem:s4], $0x1000, $0x38;
	[tilespmem:$0x3C00] =	vst v63  }
0xb5: {  	_ =	swait.ge [sflag:s26], $0x1000  }
0xb6: {  	[sflag:s26] =	ssyncset.done $0x0  }
0xb7: {  	s0 =	rddreg [dreg:$0x4];
	[sflag:s26] =	ssyncadd.s32 $0xFFFFF000  }
0xb8: {  	[hbm4b:s0+s2] =	stream.linear.scatter [tilespmem:s25], [sflag:$0x1], $0x1000, $0x38;
	[tilespmem:$0x3C00] =	vst v63  }
0xb9: {  	_ =	swait.ge [sflag:s26], $0x1000  }
0xba: {  	s30 =	sadd.s32 $0x1, s30;
	s31 =	rddreg [dreg:$0x5]  }
0xbb: {  	p0 =	sne.s32 s30, s31  }
.Ltmp2:
0xbc: {  	_ = 	snop;
	(pc) =	sbr.rel @p0 .LBB2_1-.Ltmp2, $3  }
0xbd: {  	_ =	sdelay $0x1  }
0xbe: {  	[sflag:s26] =	ssyncset.done $0x0  }
0xbf: {  	[sflag:s26] =	ssyncadd.s32 $0xFFFFF000  }
0xc0: {  	_ =	sfence.sel $0x180000  }
0xc1: {  	[bflag:$0x0] =	sbarrier.arrive $0xFFFF  }
0xc2: {  	_ =	strace $0x9000004A  }
0xc3: {  	s0 =	stileid.u32;
	[bflag:$0x2] =	sbarrier.arrive $0xFFFF  }
0xc4: {  	p0 =	sne.s32 s0, $0x0;
	s0 =	rddreg [dreg:$0x3]  }
0xc5: {  	s0 =	sadd.s32 @!p0 $0x100000, s0  }
0xc6: {  	[sflag:s0] =	ssyncadd.tile.s32 @!p0 $0x1;
	_ =	shalt  }
.Lfunc_end2:
_tile_overlayer_lowered:
.L_overlay_start_2:
0xc7: {  	(tag) =	ssettag $0x2  }
0xc8: {  	s0 =	rddreg [dreg:$0x0];
	s2 =	stileid.u32  }
0xc9: {  	s1 =	rddreg [dreg:$0x1];
	p0 =	sne.s32 s2, $0x0  }
0xca: {  	s3 =	rddreg [dreg:$0x2];
	[bflag:$0x3] =	sbarrier.arrive $0xFFFF;
	s2 =	simm.s32 @!p0 $0x1C01  }
0xcb: {  	[timem:s3], [sflag:s2] =	dma.local @!p0 [hbm:s0], s1  }
0xcc: {  	s0 =	simm.s32 @!p0 $0x1  }
0xcd: {  	_ =	swait.ge @!p0 [sflag:s0], s1  }
0xce: {  	s1 =	ssub.s32 @!p0 $0x0, s1;
	[sflag:s0] =	ssyncset.done @!p0 $0x0  }
0xcf: {  	[sflag:s0] =	ssyncadd.s32 @!p0 s1  }
0xd0: {  	[bflag:$0x3] =	sbarrier.arrive $0xFFFF  }
0xd1: {  	_ =	shalt  }

</sc_bundles>
